<compile_context>
chip_gen: v7x
topology: tpu7x:2x2x1
jax: 0.10.2.dev20260603
libtpu: 0.0.44.dev20260713+nightly
codegen_flags: <defaults>
</compile_context>

<pallas_src>
import jax
import jax.numpy as jnp
import numpy as np
from jax.experimental import pallas as pl
from jax.experimental.pallas import tpu as pltpu

B = 64
DEPTH = 10
M = 2 ** DEPTH - 1
D_WORD = 128
H = 128
T = 8


def _bitrev(nbits):
    k = np.arange(2 ** nbits)
    r = np.zeros_like(k)
    for b in range(nbits):
        r |= ((k >> b) & 1) << (nbits - 1 - b)
    return r


_PERM = np.concatenate(
    [(2 ** d - 1) + _bitrev(d) for d in range(DEPTH - 1, -1, -1)])
_OFF = {d: sum(2 ** dd for dd in range(DEPTH - 1, d, -1))
        for d in range(DEPTH)}


def _sig(x):
    return 0.5 * jnp.tanh(0.5 * x) + 0.5


def _lstm_block(feat_fn, w_iou, b_iou, u_iou, u_f, b_f):
    acc = jnp.zeros((T, H), jnp.float32)
    h_prev = None
    c_prev = None
    for d in range(DEPTH - 1, -1, -1):
        n = 2 ** d
        feat = feat_fn(d).reshape(T * n, D_WORD)
        iou = jnp.dot(feat, w_iou, preferred_element_type=jnp.float32) + b_iou
        if h_prev is None:
            c = _sig(iou[:, :H]) * jnp.tanh(iou[:, 2 * H:])
        else:
            f = _sig(jnp.dot(h_prev.astype(jnp.bfloat16), u_f,
                             preferred_element_type=jnp.float32) + b_f)
            fc = f * c_prev
            hp = h_prev.reshape(T, 2, n, H)
            fcp = fc.reshape(T, 2, n, H)
            h_sum = (hp[:, 0] + hp[:, 1]).reshape(T * n, H)
            c_sum = (fcp[:, 0] + fcp[:, 1]).reshape(T * n, H)
            iou = iou + jnp.dot(h_sum.astype(jnp.bfloat16), u_iou,
                                preferred_element_type=jnp.float32)
            c = _sig(iou[:, :H]) * jnp.tanh(iou[:, 2 * H:]) + c_sum
        h = _sig(iou[:, H:2 * H]) * jnp.tanh(c)
        acc = acc + h.reshape(T, n, H).sum(axis=1)
        h_prev, c_prev = h, c
    return acc


def _body(nf_ref,
          w1_ref, bi1_ref, ui1_ref, uf1_ref, bf1_ref,
          w2_ref, bi2_ref, ui2_ref, uf2_ref, bf2_ref,
          wff_ref, bff_ref,
          out_ref, acc1_ref, acc2_ref):
    i = pl.program_id(0)

    def feat1(d):
        n = 2 ** d
        return nf_ref[:, _OFF[d]:_OFF[d] + n, 0, :]

    def feat2(d):
        n = 2 ** d
        return nf_ref[:, _OFF[d]:_OFF[d] + n, 1, :]

    a1 = _lstm_block(feat1, w1_ref[...], bi1_ref[...], ui1_ref[...],
                     uf1_ref[...], bf1_ref[...])
    a2 = _lstm_block(feat2, w2_ref[...], bi2_ref[...], ui2_ref[...],
                     uf2_ref[...], bf2_ref[...])
    acc1_ref[pl.ds(i * T, T), :] = a1
    acc2_ref[pl.ds(i * T, T), :] = a2

    @pl.when(i == (B // T) - 1)
    def _():
        inv_m = 1.0 / M
        mf1 = jnp.maximum(acc1_ref[...] * inv_m, 0.0)
        mf2 = jnp.maximum(acc2_ref[...] * inv_m, 0.0)
        w = wff_ref[...]
        dense = (jnp.dot(mf1, w[:H], preferred_element_type=jnp.float32)
                 + jnp.dot(mf2, w[H:], preferred_element_type=jnp.float32)
                 + bff_ref[...])
        act = jnp.where(dense >= 0, dense, 0.01 * dense)
        col = jax.lax.broadcasted_iota(jnp.int32, act.shape, 1)
        act = jnp.where(col < 2, act, -jnp.inf)
        mx = jnp.max(act, axis=1, keepdims=True)
        e = jnp.exp(act - mx)
        out_ref[...] = e / jnp.sum(e, axis=1, keepdims=True)


def kernel(node_feat1, node_feat2, mask1, mask2,
           W_iou1, b_iou1, U_iou1, U_f1, b_f1,
           W_iou2, b_iou2, U_iou2, U_f2, b_f2,
           W_ff, b_ff, parent, level, graph_id):
    nf1 = node_feat1.astype(jnp.bfloat16).reshape(B, M, 1, D_WORD)
    nf2 = node_feat2.astype(jnp.bfloat16).reshape(B, M, 1, D_WORD)
    nf = jnp.concatenate([nf1, nf2], axis=2)[:, _PERM, :, :]

    W_pad = jnp.zeros((2 * H, 128), jnp.float32).at[:, :2].set(W_ff)
    b_pad = jnp.zeros((1, 128), jnp.float32).at[:, :2].set(b_ff)

    bf = jnp.bfloat16
    w_specs = [
        pl.BlockSpec((D_WORD, 3 * H), lambda i: (0, 0)),
        pl.BlockSpec((1, 3 * H), lambda i: (0, 0)),
        pl.BlockSpec((H, 3 * H), lambda i: (0, 0)),
        pl.BlockSpec((H, H), lambda i: (0, 0)),
        pl.BlockSpec((1, H), lambda i: (0, 0)),
    ]
    in_specs = ([pl.BlockSpec((T, M, 2, D_WORD), lambda i: (i, 0, 0, 0))]
                + w_specs + w_specs
                + [pl.BlockSpec((2 * H, 128), lambda i: (0, 0)),
                   pl.BlockSpec((1, 128), lambda i: (0, 0))])
    out = pl.pallas_call(
        _body,
        grid=(B // T,),
        in_specs=in_specs,
        out_specs=pl.BlockSpec((B, 128), lambda i: (0, 0)),
        out_shape=jax.ShapeDtypeStruct((B, 128), jnp.float32),
        scratch_shapes=[pltpu.VMEM((B, H), jnp.float32),
                        pltpu.VMEM((B, H), jnp.float32)],
    )(nf,
      W_iou1.astype(bf), b_iou1.reshape(1, 3 * H), U_iou1.astype(bf),
      U_f1.astype(bf), b_f1.reshape(1, H),
      W_iou2.astype(bf), b_iou2.reshape(1, 3 * H), U_iou2.astype(bf),
      U_f2.astype(bf), b_f2.reshape(1, H),
      W_pad, b_pad)
    return out[:, :2]

# --- scband reference (transcript-rebuilt; emitter-appended) ---
"""Pipeline reference for scband-tree-lstmmodel-38070590112026 (READ-ONLY COPY).

The authoritative reference and input builder live on the scoring server;
editing this copy changes nothing except your own understanding.
"""

import jax, jax.numpy as jnp
import numpy as np

B = 64
DEPTH = 10
M = 2 ** DEPTH - 1  # 1023 nodes per tree
N = B * M           # 65472 nodes per batched graph
D_WORD = 128
H = 128
CLASS_NUM = 2


def _tree_structure():
    i = np.arange(M)
    parent_local = (i - 1) // 2
    parent_local[0] = 0
    level = np.floor(np.log2(i + 1)).astype(np.int64)
    t = np.arange(B)
    parent = (t[:, None] * M + parent_local[None, :]).reshape(-1).astype(np.int64)
    levels = np.tile(level, B).astype(np.int64)
    graph_id = np.repeat(t, M).astype(np.int64)
    return jnp.asarray(parent), jnp.asarray(levels), jnp.asarray(graph_id)


def setup_inputs(seed: int = 0):
    key = jax.random.key(seed)
    ks = jax.random.split(key, 12)
    parent, level, graph_id = _tree_structure()
    inp = {
        'node_feat1': jax.random.normal(ks[0], (N, D_WORD), jnp.float32),
        'node_feat2': jax.random.normal(ks[1], (N, D_WORD), jnp.float32),
        'mask1': jnp.ones((N,), jnp.float32),
        'mask2': jnp.ones((N,), jnp.float32),
        'W_iou1': jax.random.normal(ks[2], (D_WORD, 3 * H), jnp.float32) * 0.05,
        'b_iou1': jnp.zeros((3 * H,), jnp.float32),
        'U_iou1': jax.random.normal(ks[3], (H, 3 * H), jnp.float32) * 0.05,
        'U_f1': jax.random.normal(ks[4], (H, H), jnp.float32) * 0.05,
        'b_f1': jnp.zeros((H,), jnp.float32),
        'W_iou2': jax.random.normal(ks[5], (D_WORD, 3 * H), jnp.float32) * 0.05,
        'b_iou2': jnp.zeros((3 * H,), jnp.float32),
        'U_iou2': jax.random.normal(ks[6], (H, 3 * H), jnp.float32) * 0.05,
        'U_f2': jax.random.normal(ks[7], (H, H), jnp.float32) * 0.05,
        'b_f2': jnp.zeros((H,), jnp.float32),
        'W_ff': jax.random.normal(ks[8], (2 * H, CLASS_NUM), jnp.float32) * 0.05,
        'b_ff': jnp.zeros((CLASS_NUM,), jnp.float32),
        'parent': parent,
        'level': level,
        'graph_id': graph_id,
    }
    return inp


def _treelstm(node_feat, mask, parent, level, W_iou, b_iou, U_iou, U_f, b_f):
    # ChildSum TreeLSTM, level-synchronous topological propagation (leaves -> root).
    n = node_feat.shape[0]
    iou_x = (node_feat @ W_iou) * mask[:, None]
    h = jnp.zeros((n, H), node_feat.dtype)
    c = jnp.zeros((n, H), node_feat.dtype)
    for d in range(DEPTH - 1, -1, -1):
        child_mask = (level == d + 1).astype(node_feat.dtype)[:, None]
        f = jax.nn.sigmoid(h @ U_f + b_f)
        h_sum = jnp.zeros((n, H), node_feat.dtype).at[parent].add(h * child_mask)
        c_sum = jnp.zeros((n, H), node_feat.dtype).at[parent].add(f * c * child_mask)
        iou = iou_x + b_iou + h_sum @ U_iou
        i_g, o_g, u_g = jnp.split(iou, 3, axis=1)
        c_new = jax.nn.sigmoid(i_g) * jnp.tanh(u_g) + c_sum
        h_new = jax.nn.sigmoid(o_g) * jnp.tanh(c_new)
        upd = (level == d)[:, None]
        h = jnp.where(upd, h_new, h)
        c = jnp.where(upd, c_new, c)
    return h


def reference(node_feat1, node_feat2, mask1, mask2,
              W_iou1, b_iou1, U_iou1, U_f1, b_f1,
              W_iou2, b_iou2, U_iou2, U_f2, b_f2,
              W_ff, b_ff, parent, level, graph_id):
    h1 = _treelstm(node_feat1, mask1, parent, level, W_iou1, b_iou1, U_iou1, U_f1, b_f1)
    h2 = _treelstm(node_feat2, mask2, parent, level, W_iou2, b_iou2, U_iou2, U_f2, b_f2)
    mf1 = jax.nn.relu(jax.ops.segment_sum(h1, graph_id, num_segments=B) / M)
    mf2 = jax.nn.relu(jax.ops.segment_sum(h2, graph_id, num_segments=B) / M)
    dense = jax.nn.leaky_relu(jnp.concatenate([mf1, mf2], axis=1) @ W_ff + b_ff)
    return jax.nn.softmax(dense, axis=-1)

if __name__ == "__main__":
    import jax
    _d = setup_inputs()
    print(jax.jit(kernel)(*tuple(_d.values())))

</pallas_src>

<mosaic_0001>
module attributes {stable_mosaic.version = 14 : i64} {
  func.func @_body(%arg0: i32, %arg1: memref<8x1023x2x128xbf16, #tpu.memory_space<vmem>>, %arg2: memref<128x384xbf16, #tpu.memory_space<vmem>>, %arg3: memref<1x384xf32, #tpu.memory_space<vmem>>, %arg4: memref<128x384xbf16, #tpu.memory_space<vmem>>, %arg5: memref<128x128xbf16, #tpu.memory_space<vmem>>, %arg6: memref<1x128xf32, #tpu.memory_space<vmem>>, %arg7: memref<128x384xbf16, #tpu.memory_space<vmem>>, %arg8: memref<1x384xf32, #tpu.memory_space<vmem>>, %arg9: memref<128x384xbf16, #tpu.memory_space<vmem>>, %arg10: memref<128x128xbf16, #tpu.memory_space<vmem>>, %arg11: memref<1x128xf32, #tpu.memory_space<vmem>>, %arg12: memref<256x128xf32, #tpu.memory_space<vmem>>, %arg13: memref<1x128xf32, #tpu.memory_space<vmem>>, %arg14: memref<64x128xf32, #tpu.memory_space<vmem>>, %arg15: memref<64x128xf32, #tpu.memory_space<vmem>>, %arg16: memref<64x128xf32, #tpu.memory_space<vmem>>) attributes {dimension_semantics = [#tpu.dimension_semantics<arbitrary>], iteration_bounds = array<i64: 8>, scalar_prefetch = 0 : i64, scratch_operands = 2 : i64, tpu.core_type = #tpu.core_type<tc>, window_params = [{transform_indices = @transform_0, window_bounds = array<i64: 8, 1023, 2, 128>}, {pipeline_mode = #tpu.pipeline_mode<synchronous>, transform_indices = @transform_1, window_bounds = array<i64: 128, 384>}, {pipeline_mode = #tpu.pipeline_mode<synchronous>, transform_indices = @transform_2, window_bounds = array<i64: 1, 384>}, {pipeline_mode = #tpu.pipeline_mode<synchronous>, transform_indices = @transform_3, window_bounds = array<i64: 128, 384>}, {pipeline_mode = #tpu.pipeline_mode<synchronous>, transform_indices = @transform_4, window_bounds = array<i64: 128, 128>}, {pipeline_mode = #tpu.pipeline_mode<synchronous>, transform_indices = @transform_5, window_bounds = array<i64: 1, 128>}, {pipeline_mode = #tpu.pipeline_mode<synchronous>, transform_indices = @transform_6, window_bounds = array<i64: 128, 384>}, {pipeline_mode = #tpu.pipeline_mode<synchronous>, transform_indices = @transform_7, window_bounds = array<i64: 1, 384>}, {pipeline_mode = #tpu.pipeline_mode<synchronous>, transform_indices = @transform_8, window_bounds = array<i64: 128, 384>}, {pipeline_mode = #tpu.pipeline_mode<synchronous>, transform_indices = @transform_9, window_bounds = array<i64: 128, 128>}, {pipeline_mode = #tpu.pipeline_mode<synchronous>, transform_indices = @transform_10, window_bounds = array<i64: 1, 128>}, {pipeline_mode = #tpu.pipeline_mode<synchronous>, transform_indices = @transform_11, window_bounds = array<i64: 256, 128>}, {pipeline_mode = #tpu.pipeline_mode<synchronous>, transform_indices = @transform_12, window_bounds = array<i64: 1, 128>}, {pipeline_mode = #tpu.pipeline_mode<synchronous>, transform_indices = @transform_13, window_bounds = array<i64: 64, 128>}]} {
    %get3A = arith.constant 0 : index
    %get3A_0 = arith.constant 0 : index
    %get3A_1 = vector.load %arg2[%get3A, %get3A_0] : memref<128x384xbf16, #tpu.memory_space<vmem>>, vector<128x384xbf16>
    %get3A_2 = arith.constant 0 : index
    %get3A_3 = arith.constant 0 : index
    %get3A_4 = vector.load %arg3[%get3A_2, %get3A_3] : memref<1x384xf32, #tpu.memory_space<vmem>>, vector<1x384xf32>
    %get3A_5 = arith.constant 0 : index
    %get3A_6 = arith.constant 0 : index
    %get3A_7 = vector.load %arg4[%get3A_5, %get3A_6] : memref<128x384xbf16, #tpu.memory_space<vmem>>, vector<128x384xbf16>
    %get3A_8 = arith.constant 0 : index
    %get3A_9 = arith.constant 0 : index
    %get3A_10 = vector.load %arg5[%get3A_8, %get3A_9] : memref<128x128xbf16, #tpu.memory_space<vmem>>, vector<128x128xbf16>
    %get3A_11 = arith.constant 0 : index
    %get3A_12 = arith.constant 0 : index
    %get3A_13 = vector.load %arg6[%get3A_11, %get3A_12] : memref<1x128xf32, #tpu.memory_space<vmem>>, vector<1x128xf32>
    %broadcast_in_dim3A = arith.constant 0.000000e+00 : f32
    %broadcast_in_dim3A_14 = vector.broadcast %broadcast_in_dim3A : f32 to vector<8x128xf32>
    %get3A_15 = arith.constant 0 : index
    %get3A_16 = arith.constant 0 : index
    %get3A_17 = arith.constant 0 : index
    %get3A_18 = arith.constant 0 : index
    %get3A_19 = vector.load %arg1[%get3A_15, %get3A_16, %get3A_17, %get3A_18] : memref<8x1023x2x128xbf16, #tpu.memory_space<vmem>>, vector<8x512x1x128xbf16>
    %get3A_20 = vector.shape_cast %get3A_19 : vector<8x512x1x128xbf16> to vector<8x512x128xbf16>
    %reshape3A = vector.shape_cast %get3A_20 : vector<8x512x128xbf16> to vector<4096x128xbf16>
    %dot_general3A = arith.constant dense<0.000000e+00> : vector<4096x384xf32>
    %dot_general3A_21 = tpu.matmul %reshape3A, %get3A_1, %dot_general3A {dimension_numbers = #tpu.dot_dimension_numbers<[1], [0], [0], [1], [0, 0, 1, 1], [], []>, transpose_lhs_hint = false} : vector<4096x128xbf16>, vector<128x384xbf16>, vector<4096x384xf32> -> vector<4096x384xf32>
    %add3A = vector.broadcast %get3A_4 : vector<1x384xf32> to vector<4096x384xf32>
    %add3A_22 = arith.addf %dot_general3A_21, %add3A : vector<4096x384xf32>
    %slice3A = vector.extract_strided_slice %add3A_22 {offsets = [0, 0], sizes = [4096, 128], strides = [1, 1]} : vector<4096x384xf32> to vector<4096x128xf32>
    %mul3A = arith.constant 5.000000e-01 : f32
    %mul3A_23 = vector.broadcast %mul3A : f32 to vector<4096x128xf32>
    %mul3A_24 = arith.mulf %mul3A_23, %slice3A : vector<4096x128xf32>
    %tanh3A = math.tanh %mul3A_24 : vector<4096x128xf32>
    %mul3A_25 = arith.constant 5.000000e-01 : f32
    %mul3A_26 = vector.broadcast %mul3A_25 : f32 to vector<4096x128xf32>
    %mul3A_27 = arith.mulf %mul3A_26, %tanh3A : vector<4096x128xf32>
    %add3A_28 = arith.constant 5.000000e-01 : f32
    %add3A_29 = vector.broadcast %add3A_28 : f32 to vector<4096x128xf32>
    %add3A_30 = arith.addf %mul3A_27, %add3A_29 : vector<4096x128xf32>
    %slice3A_31 = vector.extract_strided_slice %add3A_22 {offsets = [0, 256], sizes = [4096, 128], strides = [1, 1]} : vector<4096x384xf32> to vector<4096x128xf32>
    %tanh3A_32 = math.tanh %slice3A_31 : vector<4096x128xf32>
    %mul3A_33 = arith.mulf %add3A_30, %tanh3A_32 : vector<4096x128xf32>
    %slice3A_34 = vector.extract_strided_slice %add3A_22 {offsets = [0, 128], sizes = [4096, 128], strides = [1, 1]} : vector<4096x384xf32> to vector<4096x128xf32>
    %mul3A_35 = arith.constant 5.000000e-01 : f32
    %mul3A_36 = vector.broadcast %mul3A_35 : f32 to vector<4096x128xf32>
    %mul3A_37 = arith.mulf %mul3A_36, %slice3A_34 : vector<4096x128xf32>
    %tanh3A_38 = math.tanh %mul3A_37 : vector<4096x128xf32>
    %mul3A_39 = arith.constant 5.000000e-01 : f32
    %mul3A_40 = vector.broadcast %mul3A_39 : f32 to vector<4096x128xf32>
    %mul3A_41 = arith.mulf %mul3A_40, %tanh3A_38 : vector<4096x128xf32>
    %add3A_42 = arith.constant 5.000000e-01 : f32
    %add3A_43 = vector.broadcast %add3A_42 : f32 to vector<4096x128xf32>
    %add3A_44 = arith.addf %mul3A_41, %add3A_43 : vector<4096x128xf32>
    %tanh3A_45 = math.tanh %mul3A_33 : vector<4096x128xf32>
    %mul3A_46 = arith.mulf %add3A_44, %tanh3A_45 : vector<4096x128xf32>
    %reshape3A_47 = vector.shape_cast %mul3A_46 : vector<4096x128xf32> to vector<8x512x128xf32>
    %reduce_sum3A = arith.constant dense<0.000000e+00> : vector<8x128xf32>
    %reduce_sum3A_48 = vector.multi_reduction <add>, %reshape3A_47, %reduce_sum3A [1] : vector<8x512x128xf32> to vector<8x128xf32>
    %add3A_49 = arith.addf %broadcast_in_dim3A_14, %reduce_sum3A_48 : vector<8x128xf32>
    %get3A_50 = arith.constant 0 : index
    %get3A_51 = arith.constant 512 : index
    %get3A_52 = arith.constant 0 : index
    %get3A_53 = arith.constant 0 : index
    %get3A_54 = vector.load %arg1[%get3A_50, %get3A_51, %get3A_52, %get3A_53] : memref<8x1023x2x128xbf16, #tpu.memory_space<vmem>>, vector<8x256x1x128xbf16>
    %get3A_55 = vector.shape_cast %get3A_54 : vector<8x256x1x128xbf16> to vector<8x256x128xbf16>
    %reshape3A_56 = vector.shape_cast %get3A_55 : vector<8x256x128xbf16> to vector<2048x128xbf16>
    %dot_general3A_57 = arith.constant dense<0.000000e+00> : vector<2048x384xf32>
    %dot_general3A_58 = tpu.matmul %reshape3A_56, %get3A_1, %dot_general3A_57 {dimension_numbers = #tpu.dot_dimension_numbers<[1], [0], [0], [1], [0, 0, 1, 1], [], []>, transpose_lhs_hint = false} : vector<2048x128xbf16>, vector<128x384xbf16>, vector<2048x384xf32> -> vector<2048x384xf32>
    %add3A_59 = vector.broadcast %get3A_4 : vector<1x384xf32> to vector<2048x384xf32>
    %add3A_60 = arith.addf %dot_general3A_58, %add3A_59 : vector<2048x384xf32>
    %convert_element_type3A = arith.truncf %mul3A_46 : vector<4096x128xf32> to vector<4096x128xbf16>
    %dot_general3A_61 = arith.constant dense<0.000000e+00> : vector<4096x128xf32>
    %dot_general3A_62 = tpu.matmul %convert_element_type3A, %get3A_10, %dot_general3A_61 {dimension_numbers = #tpu.dot_dimension_numbers<[1], [0], [0], [1], [0, 0, 1, 1], [], []>, transpose_lhs_hint = false} : vector<4096x128xbf16>, vector<128x128xbf16>, vector<4096x128xf32> -> vector<4096x128xf32>
    %add3A_63 = vector.broadcast %get3A_13 : vector<1x128xf32> to vector<4096x128xf32>
    %add3A_64 = arith.addf %dot_general3A_62, %add3A_63 : vector<4096x128xf32>
    %mul3A_65 = arith.constant 5.000000e-01 : f32
    %mul3A_66 = vector.broadcast %mul3A_65 : f32 to vector<4096x128xf32>
    %mul3A_67 = arith.mulf %mul3A_66, %add3A_64 : vector<4096x128xf32>
    %tanh3A_68 = math.tanh %mul3A_67 : vector<4096x128xf32>
    %mul3A_69 = arith.constant 5.000000e-01 : f32
    %mul3A_70 = vector.broadcast %mul3A_69 : f32 to vector<4096x128xf32>
    %mul3A_71 = arith.mulf %mul3A_70, %tanh3A_68 : vector<4096x128xf32>
    %add3A_72 = arith.constant 5.000000e-01 : f32
    %add3A_73 = vector.broadcast %add3A_72 : f32 to vector<4096x128xf32>
    %add3A_74 = arith.addf %mul3A_71, %add3A_73 : vector<4096x128xf32>
    %mul3A_75 = arith.mulf %add3A_74, %mul3A_33 : vector<4096x128xf32>
    %reshape3A_76 = vector.shape_cast %mul3A_46 : vector<4096x128xf32> to vector<8x2x256x128xf32>
    %reshape3A_77 = vector.shape_cast %mul3A_75 : vector<4096x128xf32> to vector<8x2x256x128xf32>
    %slice3A_78 = vector.extract_strided_slice %reshape3A_76 {offsets = [0, 0, 0, 0], sizes = [8, 1, 256, 128], strides = [1, 1, 1, 1]} : vector<8x2x256x128xf32> to vector<8x1x256x128xf32>
    %squeeze3A = vector.shape_cast %slice3A_78 : vector<8x1x256x128xf32> to vector<8x256x128xf32>
    %slice3A_79 = vector.extract_strided_slice %reshape3A_76 {offsets = [0, 1, 0, 0], sizes = [8, 1, 256, 128], strides = [1, 1, 1, 1]} : vector<8x2x256x128xf32> to vector<8x1x256x128xf32>
    %squeeze3A_80 = vector.shape_cast %slice3A_79 : vector<8x1x256x128xf32> to vector<8x256x128xf32>
    %add3A_81 = arith.addf %squeeze3A, %squeeze3A_80 : vector<8x256x128xf32>
    %reshape3A_82 = vector.shape_cast %add3A_81 : vector<8x256x128xf32> to vector<2048x128xf32>
    %slice3A_83 = vector.extract_strided_slice %reshape3A_77 {offsets = [0, 0, 0, 0], sizes = [8, 1, 256, 128], strides = [1, 1, 1, 1]} : vector<8x2x256x128xf32> to vector<8x1x256x128xf32>
    %squeeze3A_84 = vector.shape_cast %slice3A_83 : vector<8x1x256x128xf32> to vector<8x256x128xf32>
    %slice3A_85 = vector.extract_strided_slice %reshape3A_77 {offsets = [0, 1, 0, 0], sizes = [8, 1, 256, 128], strides = [1, 1, 1, 1]} : vector<8x2x256x128xf32> to vector<8x1x256x128xf32>
    %squeeze3A_86 = vector.shape_cast %slice3A_85 : vector<8x1x256x128xf32> to vector<8x256x128xf32>
    %add3A_87 = arith.addf %squeeze3A_84, %squeeze3A_86 : vector<8x256x128xf32>
    %reshape3A_88 = vector.shape_cast %add3A_87 : vector<8x256x128xf32> to vector<2048x128xf32>
    %convert_element_type3A_89 = arith.truncf %reshape3A_82 : vector<2048x128xf32> to vector<2048x128xbf16>
    %dot_general3A_90 = arith.constant dense<0.000000e+00> : vector<2048x384xf32>
    %dot_general3A_91 = tpu.matmul %convert_element_type3A_89, %get3A_7, %dot_general3A_90 {dimension_numbers = #tpu.dot_dimension_numbers<[1], [0], [0], [1], [0, 0, 1, 1], [], []>, transpose_lhs_hint = false} : vector<2048x128xbf16>, vector<128x384xbf16>, vector<2048x384xf32> -> vector<2048x384xf32>
    %add3A_92 = arith.addf %add3A_60, %dot_general3A_91 : vector<2048x384xf32>
    %slice3A_93 = vector.extract_strided_slice %add3A_92 {offsets = [0, 0], sizes = [2048, 128], strides = [1, 1]} : vector<2048x384xf32> to vector<2048x128xf32>
    %mul3A_94 = arith.constant 5.000000e-01 : f32
    %mul3A_95 = vector.broadcast %mul3A_94 : f32 to vector<2048x128xf32>
    %mul3A_96 = arith.mulf %mul3A_95, %slice3A_93 : vector<2048x128xf32>
    %tanh3A_97 = math.tanh %mul3A_96 : vector<2048x128xf32>
    %mul3A_98 = arith.constant 5.000000e-01 : f32
    %mul3A_99 = vector.broadcast %mul3A_98 : f32 to vector<2048x128xf32>
    %mul3A_100 = arith.mulf %mul3A_99, %tanh3A_97 : vector<2048x128xf32>
    %add3A_101 = arith.constant 5.000000e-01 : f32
    %add3A_102 = vector.broadcast %add3A_101 : f32 to vector<2048x128xf32>
    %add3A_103 = arith.addf %mul3A_100, %add3A_102 : vector<2048x128xf32>
    %slice3A_104 = vector.extract_strided_slice %add3A_92 {offsets = [0, 256], sizes = [2048, 128], strides = [1, 1]} : vector<2048x384xf32> to vector<2048x128xf32>
    %tanh3A_105 = math.tanh %slice3A_104 : vector<2048x128xf32>
    %mul3A_106 = arith.mulf %add3A_103, %tanh3A_105 : vector<2048x128xf32>
    %add3A_107 = arith.addf %mul3A_106, %reshape3A_88 : vector<2048x128xf32>
    %slice3A_108 = vector.extract_strided_slice %add3A_92 {offsets = [0, 128], sizes = [2048, 128], strides = [1, 1]} : vector<2048x384xf32> to vector<2048x128xf32>
    %mul3A_109 = arith.constant 5.000000e-01 : f32
    %mul3A_110 = vector.broadcast %mul3A_109 : f32 to vector<2048x128xf32>
    %mul3A_111 = arith.mulf %mul3A_110, %slice3A_108 : vector<2048x128xf32>
    %tanh3A_112 = math.tanh %mul3A_111 : vector<2048x128xf32>
    %mul3A_113 = arith.constant 5.000000e-01 : f32
    %mul3A_114 = vector.broadcast %mul3A_113 : f32 to vector<2048x128xf32>
    %mul3A_115 = arith.mulf %mul3A_114, %tanh3A_112 : vector<2048x128xf32>
    %add3A_116 = arith.constant 5.000000e-01 : f32
    %add3A_117 = vector.broadcast %add3A_116 : f32 to vector<2048x128xf32>
    %add3A_118 = arith.addf %mul3A_115, %add3A_117 : vector<2048x128xf32>
    %tanh3A_119 = math.tanh %add3A_107 : vector<2048x128xf32>
    %mul3A_120 = arith.mulf %add3A_118, %tanh3A_119 : vector<2048x128xf32>
    %reshape3A_121 = vector.shape_cast %mul3A_120 : vector<2048x128xf32> to vector<8x256x128xf32>
    %reduce_sum3A_122 = arith.constant dense<0.000000e+00> : vector<8x128xf32>
    %reduce_sum3A_123 = vector.multi_reduction <add>, %reshape3A_121, %reduce_sum3A_122 [1] : vector<8x256x128xf32> to vector<8x128xf32>
    %add3A_124 = arith.addf %add3A_49, %reduce_sum3A_123 : vector<8x128xf32>
    %get3A_125 = arith.constant 0 : index
    %get3A_126 = arith.constant 768 : index
    %get3A_127 = arith.constant 0 : index
    %get3A_128 = arith.constant 0 : index
    %get3A_129 = vector.load %arg1[%get3A_125, %get3A_126, %get3A_127, %get3A_128] : memref<8x1023x2x128xbf16, #tpu.memory_space<vmem>>, vector<8x128x1x128xbf16>
    %get3A_130 = vector.shape_cast %get3A_129 : vector<8x128x1x128xbf16> to vector<8x128x128xbf16>
    %reshape3A_131 = vector.shape_cast %get3A_130 : vector<8x128x128xbf16> to vector<1024x128xbf16>
    %dot_general3A_132 = arith.constant dense<0.000000e+00> : vector<1024x384xf32>
    %dot_general3A_133 = tpu.matmul %reshape3A_131, %get3A_1, %dot_general3A_132 {dimension_numbers = #tpu.dot_dimension_numbers<[1], [0], [0], [1], [0, 0, 1, 1], [], []>, transpose_lhs_hint = false} : vector<1024x128xbf16>, vector<128x384xbf16>, vector<1024x384xf32> -> vector<1024x384xf32>
    %add3A_134 = vector.broadcast %get3A_4 : vector<1x384xf32> to vector<1024x384xf32>
    %add3A_135 = arith.addf %dot_general3A_133, %add3A_134 : vector<1024x384xf32>
    %convert_element_type3A_136 = arith.truncf %mul3A_120 : vector<2048x128xf32> to vector<2048x128xbf16>
    %dot_general3A_137 = arith.constant dense<0.000000e+00> : vector<2048x128xf32>
    %dot_general3A_138 = tpu.matmul %convert_element_type3A_136, %get3A_10, %dot_general3A_137 {dimension_numbers = #tpu.dot_dimension_numbers<[1], [0], [0], [1], [0, 0, 1, 1], [], []>, transpose_lhs_hint = false} : vector<2048x128xbf16>, vector<128x128xbf16>, vector<2048x128xf32> -> vector<2048x128xf32>
    %add3A_139 = vector.broadcast %get3A_13 : vector<1x128xf32> to vector<2048x128xf32>
    %add3A_140 = arith.addf %dot_general3A_138, %add3A_139 : vector<2048x128xf32>
    %mul3A_141 = arith.constant 5.000000e-01 : f32
    %mul3A_142 = vector.broadcast %mul3A_141 : f32 to vector<2048x128xf32>
    %mul3A_143 = arith.mulf %mul3A_142, %add3A_140 : vector<2048x128xf32>
    %tanh3A_144 = math.tanh %mul3A_143 : vector<2048x128xf32>
    %mul3A_145 = arith.constant 5.000000e-01 : f32
    %mul3A_146 = vector.broadcast %mul3A_145 : f32 to vector<2048x128xf32>
    %mul3A_147 = arith.mulf %mul3A_146, %tanh3A_144 : vector<2048x128xf32>
    %add3A_148 = arith.constant 5.000000e-01 : f32
    %add3A_149 = vector.broadcast %add3A_148 : f32 to vector<2048x128xf32>
    %add3A_150 = arith.addf %mul3A_147, %add3A_149 : vector<2048x128xf32>
    %mul3A_151 = arith.mulf %add3A_150, %add3A_107 : vector<2048x128xf32>
    %reshape3A_152 = vector.shape_cast %mul3A_120 : vector<2048x128xf32> to vector<8x2x128x128xf32>
    %reshape3A_153 = vector.shape_cast %mul3A_151 : vector<2048x128xf32> to vector<8x2x128x128xf32>
    %slice3A_154 = vector.extract_strided_slice %reshape3A_152 {offsets = [0, 0, 0, 0], sizes = [8, 1, 128, 128], strides = [1, 1, 1, 1]} : vector<8x2x128x128xf32> to vector<8x1x128x128xf32>
    %squeeze3A_155 = vector.shape_cast %slice3A_154 : vector<8x1x128x128xf32> to vector<8x128x128xf32>
    %slice3A_156 = vector.extract_strided_slice %reshape3A_152 {offsets = [0, 1, 0, 0], sizes = [8, 1, 128, 128], strides = [1, 1, 1, 1]} : vector<8x2x128x128xf32> to vector<8x1x128x128xf32>
    %squeeze3A_157 = vector.shape_cast %slice3A_156 : vector<8x1x128x128xf32> to vector<8x128x128xf32>
    %add3A_158 = arith.addf %squeeze3A_155, %squeeze3A_157 : vector<8x128x128xf32>
    %reshape3A_159 = vector.shape_cast %add3A_158 : vector<8x128x128xf32> to vector<1024x128xf32>
    %slice3A_160 = vector.extract_strided_slice %reshape3A_153 {offsets = [0, 0, 0, 0], sizes = [8, 1, 128, 128], strides = [1, 1, 1, 1]} : vector<8x2x128x128xf32> to vector<8x1x128x128xf32>
    %squeeze3A_161 = vector.shape_cast %slice3A_160 : vector<8x1x128x128xf32> to vector<8x128x128xf32>
    %slice3A_162 = vector.extract_strided_slice %reshape3A_153 {offsets = [0, 1, 0, 0], sizes = [8, 1, 128, 128], strides = [1, 1, 1, 1]} : vector<8x2x128x128xf32> to vector<8x1x128x128xf32>
    %squeeze3A_163 = vector.shape_cast %slice3A_162 : vector<8x1x128x128xf32> to vector<8x128x128xf32>
    %add3A_164 = arith.addf %squeeze3A_161, %squeeze3A_163 : vector<8x128x128xf32>
    %reshape3A_165 = vector.shape_cast %add3A_164 : vector<8x128x128xf32> to vector<1024x128xf32>
    %convert_element_type3A_166 = arith.truncf %reshape3A_159 : vector<1024x128xf32> to vector<1024x128xbf16>
    %dot_general3A_167 = arith.constant dense<0.000000e+00> : vector<1024x384xf32>
    %dot_general3A_168 = tpu.matmul %convert_element_type3A_166, %get3A_7, %dot_general3A_167 {dimension_numbers = #tpu.dot_dimension_numbers<[1], [0], [0], [1], [0, 0, 1, 1], [], []>, transpose_lhs_hint = false} : vector<1024x128xbf16>, vector<128x384xbf16>, vector<1024x384xf32> -> vector<1024x384xf32>
    %add3A_169 = arith.addf %add3A_135, %dot_general3A_168 : vector<1024x384xf32>
    %slice3A_170 = vector.extract_strided_slice %add3A_169 {offsets = [0, 0], sizes = [1024, 128], strides = [1, 1]} : vector<1024x384xf32> to vector<1024x128xf32>
    %mul3A_171 = arith.constant 5.000000e-01 : f32
    %mul3A_172 = vector.broadcast %mul3A_171 : f32 to vector<1024x128xf32>
    %mul3A_173 = arith.mulf %mul3A_172, %slice3A_170 : vector<1024x128xf32>
    %tanh3A_174 = math.tanh %mul3A_173 : vector<1024x128xf32>
    %mul3A_175 = arith.constant 5.000000e-01 : f32
    %mul3A_176 = vector.broadcast %mul3A_175 : f32 to vector<1024x128xf32>
    %mul3A_177 = arith.mulf %mul3A_176, %tanh3A_174 : vector<1024x128xf32>
    %add3A_178 = arith.constant 5.000000e-01 : f32
    %add3A_179 = vector.broadcast %add3A_178 : f32 to vector<1024x128xf32>
    %add3A_180 = arith.addf %mul3A_177, %add3A_179 : vector<1024x128xf32>
    %slice3A_181 = vector.extract_strided_slice %add3A_169 {offsets = [0, 256], sizes = [1024, 128], strides = [1, 1]} : vector<1024x384xf32> to vector<1024x128xf32>
    %tanh3A_182 = math.tanh %slice3A_181 : vector<1024x128xf32>
    %mul3A_183 = arith.mulf %add3A_180, %tanh3A_182 : vector<1024x128xf32>
    %add3A_184 = arith.addf %mul3A_183, %reshape3A_165 : vector<1024x128xf32>
    %slice3A_185 = vector.extract_strided_slice %add3A_169 {offsets = [0, 128], sizes = [1024, 128], strides = [1, 1]} : vector<1024x384xf32> to vector<1024x128xf32>
    %mul3A_186 = arith.constant 5.000000e-01 : f32
    %mul3A_187 = vector.broadcast %mul3A_186 : f32 to vector<1024x128xf32>
    %mul3A_188 = arith.mulf %mul3A_187, %slice3A_185 : vector<1024x128xf32>
    %tanh3A_189 = math.tanh %mul3A_188 : vector<1024x128xf32>
    %mul3A_190 = arith.constant 5.000000e-01 : f32
    %mul3A_191 = vector.broadcast %mul3A_190 : f32 to vector<1024x128xf32>
    %mul3A_192 = arith.mulf %mul3A_191, %tanh3A_189 : vector<1024x128xf32>
    %add3A_193 = arith.constant 5.000000e-01 : f32
    %add3A_194 = vector.broadcast %add3A_193 : f32 to vector<1024x128xf32>
    %add3A_195 = arith.addf %mul3A_192, %add3A_194 : vector<1024x128xf32>
    %tanh3A_196 = math.tanh %add3A_184 : vector<1024x128xf32>
    %mul3A_197 = arith.mulf %add3A_195, %tanh3A_196 : vector<1024x128xf32>
    %reshape3A_198 = vector.shape_cast %mul3A_197 : vector<1024x128xf32> to vector<8x128x128xf32>
    %reduce_sum3A_199 = arith.constant dense<0.000000e+00> : vector<8x128xf32>
    %reduce_sum3A_200 = vector.multi_reduction <add>, %reshape3A_198, %reduce_sum3A_199 [1] : vector<8x128x128xf32> to vector<8x128xf32>
    %add3A_201 = arith.addf %add3A_124, %reduce_sum3A_200 : vector<8x128xf32>
    %get3A_202 = arith.constant 0 : index
    %get3A_203 = arith.constant 896 : index
    %get3A_204 = arith.constant 0 : index
    %get3A_205 = arith.constant 0 : index
    %get3A_206 = vector.load %arg1[%get3A_202, %get3A_203, %get3A_204, %get3A_205] : memref<8x1023x2x128xbf16, #tpu.memory_space<vmem>>, vector<8x64x1x128xbf16>
    %get3A_207 = vector.shape_cast %get3A_206 : vector<8x64x1x128xbf16> to vector<8x64x128xbf16>
    %reshape3A_208 = vector.shape_cast %get3A_207 : vector<8x64x128xbf16> to vector<512x128xbf16>
    %dot_general3A_209 = arith.constant dense<0.000000e+00> : vector<512x384xf32>
    %dot_general3A_210 = tpu.matmul %reshape3A_208, %get3A_1, %dot_general3A_209 {dimension_numbers = #tpu.dot_dimension_numbers<[1], [0], [0], [1], [0, 0, 1, 1], [], []>, transpose_lhs_hint = false} : vector<512x128xbf16>, vector<128x384xbf16>, vector<512x384xf32> -> vector<512x384xf32>
    %add3A_211 = vector.broadcast %get3A_4 : vector<1x384xf32> to vector<512x384xf32>
    %add3A_212 = arith.addf %dot_general3A_210, %add3A_211 : vector<512x384xf32>
    %convert_element_type3A_213 = arith.truncf %mul3A_197 : vector<1024x128xf32> to vector<1024x128xbf16>
    %dot_general3A_214 = arith.constant dense<0.000000e+00> : vector<1024x128xf32>
    %dot_general3A_215 = tpu.matmul %convert_element_type3A_213, %get3A_10, %dot_general3A_214 {dimension_numbers = #tpu.dot_dimension_numbers<[1], [0], [0], [1], [0, 0, 1, 1], [], []>, transpose_lhs_hint = false} : vector<1024x128xbf16>, vector<128x128xbf16>, vector<1024x128xf32> -> vector<1024x128xf32>
    %add3A_216 = vector.broadcast %get3A_13 : vector<1x128xf32> to vector<1024x128xf32>
    %add3A_217 = arith.addf %dot_general3A_215, %add3A_216 : vector<1024x128xf32>
    %mul3A_218 = arith.constant 5.000000e-01 : f32
    %mul3A_219 = vector.broadcast %mul3A_218 : f32 to vector<1024x128xf32>
    %mul3A_220 = arith.mulf %mul3A_219, %add3A_217 : vector<1024x128xf32>
    %tanh3A_221 = math.tanh %mul3A_220 : vector<1024x128xf32>
    %mul3A_222 = arith.constant 5.000000e-01 : f32
    %mul3A_223 = vector.broadcast %mul3A_222 : f32 to vector<1024x128xf32>
    %mul3A_224 = arith.mulf %mul3A_223, %tanh3A_221 : vector<1024x128xf32>
    %add3A_225 = arith.constant 5.000000e-01 : f32
    %add3A_226 = vector.broadcast %add3A_225 : f32 to vector<1024x128xf32>
    %add3A_227 = arith.addf %mul3A_224, %add3A_226 : vector<1024x128xf32>
    %mul3A_228 = arith.mulf %add3A_227, %add3A_184 : vector<1024x128xf32>
    %reshape3A_229 = vector.shape_cast %mul3A_197 : vector<1024x128xf32> to vector<8x2x64x128xf32>
    %reshape3A_230 = vector.shape_cast %mul3A_228 : vector<1024x128xf32> to vector<8x2x64x128xf32>
    %slice3A_231 = vector.extract_strided_slice %reshape3A_229 {offsets = [0, 0, 0, 0], sizes = [8, 1, 64, 128], strides = [1, 1, 1, 1]} : vector<8x2x64x128xf32> to vector<8x1x64x128xf32>
    %squeeze3A_232 = vector.shape_cast %slice3A_231 : vector<8x1x64x128xf32> to vector<8x64x128xf32>
    %slice3A_233 = vector.extract_strided_slice %reshape3A_229 {offsets = [0, 1, 0, 0], sizes = [8, 1, 64, 128], strides = [1, 1, 1, 1]} : vector<8x2x64x128xf32> to vector<8x1x64x128xf32>
    %squeeze3A_234 = vector.shape_cast %slice3A_233 : vector<8x1x64x128xf32> to vector<8x64x128xf32>
    %add3A_235 = arith.addf %squeeze3A_232, %squeeze3A_234 : vector<8x64x128xf32>
    %reshape3A_236 = vector.shape_cast %add3A_235 : vector<8x64x128xf32> to vector<512x128xf32>
    %slice3A_237 = vector.extract_strided_slice %reshape3A_230 {offsets = [0, 0, 0, 0], sizes = [8, 1, 64, 128], strides = [1, 1, 1, 1]} : vector<8x2x64x128xf32> to vector<8x1x64x128xf32>
    %squeeze3A_238 = vector.shape_cast %slice3A_237 : vector<8x1x64x128xf32> to vector<8x64x128xf32>
    %slice3A_239 = vector.extract_strided_slice %reshape3A_230 {offsets = [0, 1, 0, 0], sizes = [8, 1, 64, 128], strides = [1, 1, 1, 1]} : vector<8x2x64x128xf32> to vector<8x1x64x128xf32>
    %squeeze3A_240 = vector.shape_cast %slice3A_239 : vector<8x1x64x128xf32> to vector<8x64x128xf32>
    %add3A_241 = arith.addf %squeeze3A_238, %squeeze3A_240 : vector<8x64x128xf32>
    %reshape3A_242 = vector.shape_cast %add3A_241 : vector<8x64x128xf32> to vector<512x128xf32>
    %convert_element_type3A_243 = arith.truncf %reshape3A_236 : vector<512x128xf32> to vector<512x128xbf16>
    %dot_general3A_244 = arith.constant dense<0.000000e+00> : vector<512x384xf32>
    %dot_general3A_245 = tpu.matmul %convert_element_type3A_243, %get3A_7, %dot_general3A_244 {dimension_numbers = #tpu.dot_dimension_numbers<[1], [0], [0], [1], [0, 0, 1, 1], [], []>, transpose_lhs_hint = false} : vector<512x128xbf16>, vector<128x384xbf16>, vector<512x384xf32> -> vector<512x384xf32>
    %add3A_246 = arith.addf %add3A_212, %dot_general3A_245 : vector<512x384xf32>
    %slice3A_247 = vector.extract_strided_slice %add3A_246 {offsets = [0, 0], sizes = [512, 128], strides = [1, 1]} : vector<512x384xf32> to vector<512x128xf32>
    %mul3A_248 = arith.constant 5.000000e-01 : f32
    %mul3A_249 = vector.broadcast %mul3A_248 : f32 to vector<512x128xf32>
    %mul3A_250 = arith.mulf %mul3A_249, %slice3A_247 : vector<512x128xf32>
    %tanh3A_251 = math.tanh %mul3A_250 : vector<512x128xf32>
    %mul3A_252 = arith.constant 5.000000e-01 : f32
    %mul3A_253 = vector.broadcast %mul3A_252 : f32 to vector<512x128xf32>
    %mul3A_254 = arith.mulf %mul3A_253, %tanh3A_251 : vector<512x128xf32>
    %add3A_255 = arith.constant 5.000000e-01 : f32
    %add3A_256 = vector.broadcast %add3A_255 : f32 to vector<512x128xf32>
    %add3A_257 = arith.addf %mul3A_254, %add3A_256 : vector<512x128xf32>
    %slice3A_258 = vector.extract_strided_slice %add3A_246 {offsets = [0, 256], sizes = [512, 128], strides = [1, 1]} : vector<512x384xf32> to vector<512x128xf32>
    %tanh3A_259 = math.tanh %slice3A_258 : vector<512x128xf32>
    %mul3A_260 = arith.mulf %add3A_257, %tanh3A_259 : vector<512x128xf32>
    %add3A_261 = arith.addf %mul3A_260, %reshape3A_242 : vector<512x128xf32>
    %slice3A_262 = vector.extract_strided_slice %add3A_246 {offsets = [0, 128], sizes = [512, 128], strides = [1, 1]} : vector<512x384xf32> to vector<512x128xf32>
    %mul3A_263 = arith.constant 5.000000e-01 : f32
    %mul3A_264 = vector.broadcast %mul3A_263 : f32 to vector<512x128xf32>
    %mul3A_265 = arith.mulf %mul3A_264, %slice3A_262 : vector<512x128xf32>
    %tanh3A_266 = math.tanh %mul3A_265 : vector<512x128xf32>
    %mul3A_267 = arith.constant 5.000000e-01 : f32
    %mul3A_268 = vector.broadcast %mul3A_267 : f32 to vector<512x128xf32>
    %mul3A_269 = arith.mulf %mul3A_268, %tanh3A_266 : vector<512x128xf32>
    %add3A_270 = arith.constant 5.000000e-01 : f32
    %add3A_271 = vector.broadcast %add3A_270 : f32 to vector<512x128xf32>
    %add3A_272 = arith.addf %mul3A_269, %add3A_271 : vector<512x128xf32>
    %tanh3A_273 = math.tanh %add3A_261 : vector<512x128xf32>
    %mul3A_274 = arith.mulf %add3A_272, %tanh3A_273 : vector<512x128xf32>
    %reshape3A_275 = vector.shape_cast %mul3A_274 : vector<512x128xf32> to vector<8x64x128xf32>
    %reduce_sum3A_276 = arith.constant dense<0.000000e+00> : vector<8x128xf32>
    %reduce_sum3A_277 = vector.multi_reduction <add>, %reshape3A_275, %reduce_sum3A_276 [1] : vector<8x64x128xf32> to vector<8x128xf32>
    %add3A_278 = arith.addf %add3A_201, %reduce_sum3A_277 : vector<8x128xf32>
    %get3A_279 = arith.constant 0 : index
    %get3A_280 = arith.constant 960 : index
    %get3A_281 = arith.constant 0 : index
    %get3A_282 = arith.constant 0 : index
    %get3A_283 = vector.load %arg1[%get3A_279, %get3A_280, %get3A_281, %get3A_282] : memref<8x1023x2x128xbf16, #tpu.memory_space<vmem>>, vector<8x32x1x128xbf16>
    %get3A_284 = vector.shape_cast %get3A_283 : vector<8x32x1x128xbf16> to vector<8x32x128xbf16>
    %reshape3A_285 = vector.shape_cast %get3A_284 : vector<8x32x128xbf16> to vector<256x128xbf16>
    %dot_general3A_286 = arith.constant dense<0.000000e+00> : vector<256x384xf32>
    %dot_general3A_287 = tpu.matmul %reshape3A_285, %get3A_1, %dot_general3A_286 {dimension_numbers = #tpu.dot_dimension_numbers<[1], [0], [0], [1], [0, 0, 1, 1], [], []>, transpose_lhs_hint = false} : vector<256x128xbf16>, vector<128x384xbf16>, vector<256x384xf32> -> vector<256x384xf32>
    %add3A_288 = vector.broadcast %get3A_4 : vector<1x384xf32> to vector<256x384xf32>
    %add3A_289 = arith.addf %dot_general3A_287, %add3A_288 : vector<256x384xf32>
    %convert_element_type3A_290 = arith.truncf %mul3A_274 : vector<512x128xf32> to vector<512x128xbf16>
    %dot_general3A_291 = arith.constant dense<0.000000e+00> : vector<512x128xf32>
    %dot_general3A_292 = tpu.matmul %convert_element_type3A_290, %get3A_10, %dot_general3A_291 {dimension_numbers = #tpu.dot_dimension_numbers<[1], [0], [0], [1], [0, 0, 1, 1], [], []>, transpose_lhs_hint = false} : vector<512x128xbf16>, vector<128x128xbf16>, vector<512x128xf32> -> vector<512x128xf32>
    %add3A_293 = vector.broadcast %get3A_13 : vector<1x128xf32> to vector<512x128xf32>
    %add3A_294 = arith.addf %dot_general3A_292, %add3A_293 : vector<512x128xf32>
    %mul3A_295 = arith.constant 5.000000e-01 : f32
    %mul3A_296 = vector.broadcast %mul3A_295 : f32 to vector<512x128xf32>
    %mul3A_297 = arith.mulf %mul3A_296, %add3A_294 : vector<512x128xf32>
    %tanh3A_298 = math.tanh %mul3A_297 : vector<512x128xf32>
    %mul3A_299 = arith.constant 5.000000e-01 : f32
    %mul3A_300 = vector.broadcast %mul3A_299 : f32 to vector<512x128xf32>
    %mul3A_301 = arith.mulf %mul3A_300, %tanh3A_298 : vector<512x128xf32>
    %add3A_302 = arith.constant 5.000000e-01 : f32
    %add3A_303 = vector.broadcast %add3A_302 : f32 to vector<512x128xf32>
    %add3A_304 = arith.addf %mul3A_301, %add3A_303 : vector<512x128xf32>
    %mul3A_305 = arith.mulf %add3A_304, %add3A_261 : vector<512x128xf32>
    %reshape3A_306 = vector.shape_cast %mul3A_274 : vector<512x128xf32> to vector<8x2x32x128xf32>
    %reshape3A_307 = vector.shape_cast %mul3A_305 : vector<512x128xf32> to vector<8x2x32x128xf32>
    %slice3A_308 = vector.extract_strided_slice %reshape3A_306 {offsets = [0, 0, 0, 0], sizes = [8, 1, 32, 128], strides = [1, 1, 1, 1]} : vector<8x2x32x128xf32> to vector<8x1x32x128xf32>
    %squeeze3A_309 = vector.shape_cast %slice3A_308 : vector<8x1x32x128xf32> to vector<8x32x128xf32>
    %slice3A_310 = vector.extract_strided_slice %reshape3A_306 {offsets = [0, 1, 0, 0], sizes = [8, 1, 32, 128], strides = [1, 1, 1, 1]} : vector<8x2x32x128xf32> to vector<8x1x32x128xf32>
    %squeeze3A_311 = vector.shape_cast %slice3A_310 : vector<8x1x32x128xf32> to vector<8x32x128xf32>
    %add3A_312 = arith.addf %squeeze3A_309, %squeeze3A_311 : vector<8x32x128xf32>
    %reshape3A_313 = vector.shape_cast %add3A_312 : vector<8x32x128xf32> to vector<256x128xf32>
    %slice3A_314 = vector.extract_strided_slice %reshape3A_307 {offsets = [0, 0, 0, 0], sizes = [8, 1, 32, 128], strides = [1, 1, 1, 1]} : vector<8x2x32x128xf32> to vector<8x1x32x128xf32>
    %squeeze3A_315 = vector.shape_cast %slice3A_314 : vector<8x1x32x128xf32> to vector<8x32x128xf32>
    %slice3A_316 = vector.extract_strided_slice %reshape3A_307 {offsets = [0, 1, 0, 0], sizes = [8, 1, 32, 128], strides = [1, 1, 1, 1]} : vector<8x2x32x128xf32> to vector<8x1x32x128xf32>
    %squeeze3A_317 = vector.shape_cast %slice3A_316 : vector<8x1x32x128xf32> to vector<8x32x128xf32>
    %add3A_318 = arith.addf %squeeze3A_315, %squeeze3A_317 : vector<8x32x128xf32>
    %reshape3A_319 = vector.shape_cast %add3A_318 : vector<8x32x128xf32> to vector<256x128xf32>
    %convert_element_type3A_320 = arith.truncf %reshape3A_313 : vector<256x128xf32> to vector<256x128xbf16>
    %dot_general3A_321 = arith.constant dense<0.000000e+00> : vector<256x384xf32>
    %dot_general3A_322 = tpu.matmul %convert_element_type3A_320, %get3A_7, %dot_general3A_321 {dimension_numbers = #tpu.dot_dimension_numbers<[1], [0], [0], [1], [0, 0, 1, 1], [], []>, transpose_lhs_hint = false} : vector<256x128xbf16>, vector<128x384xbf16>, vector<256x384xf32> -> vector<256x384xf32>
    %add3A_323 = arith.addf %add3A_289, %dot_general3A_322 : vector<256x384xf32>
    %slice3A_324 = vector.extract_strided_slice %add3A_323 {offsets = [0, 0], sizes = [256, 128], strides = [1, 1]} : vector<256x384xf32> to vector<256x128xf32>
    %mul3A_325 = arith.constant 5.000000e-01 : f32
    %mul3A_326 = vector.broadcast %mul3A_325 : f32 to vector<256x128xf32>
    %mul3A_327 = arith.mulf %mul3A_326, %slice3A_324 : vector<256x128xf32>
    %tanh3A_328 = math.tanh %mul3A_327 : vector<256x128xf32>
    %mul3A_329 = arith.constant 5.000000e-01 : f32
    %mul3A_330 = vector.broadcast %mul3A_329 : f32 to vector<256x128xf32>
    %mul3A_331 = arith.mulf %mul3A_330, %tanh3A_328 : vector<256x128xf32>
    %add3A_332 = arith.constant 5.000000e-01 : f32
    %add3A_333 = vector.broadcast %add3A_332 : f32 to vector<256x128xf32>
    %add3A_334 = arith.addf %mul3A_331, %add3A_333 : vector<256x128xf32>
    %slice3A_335 = vector.extract_strided_slice %add3A_323 {offsets = [0, 256], sizes = [256, 128], strides = [1, 1]} : vector<256x384xf32> to vector<256x128xf32>
    %tanh3A_336 = math.tanh %slice3A_335 : vector<256x128xf32>
    %mul3A_337 = arith.mulf %add3A_334, %tanh3A_336 : vector<256x128xf32>
    %add3A_338 = arith.addf %mul3A_337, %reshape3A_319 : vector<256x128xf32>
    %slice3A_339 = vector.extract_strided_slice %add3A_323 {offsets = [0, 128], sizes = [256, 128], strides = [1, 1]} : vector<256x384xf32> to vector<256x128xf32>
    %mul3A_340 = arith.constant 5.000000e-01 : f32
    %mul3A_341 = vector.broadcast %mul3A_340 : f32 to vector<256x128xf32>
    %mul3A_342 = arith.mulf %mul3A_341, %slice3A_339 : vector<256x128xf32>
    %tanh3A_343 = math.tanh %mul3A_342 : vector<256x128xf32>
    %mul3A_344 = arith.constant 5.000000e-01 : f32
    %mul3A_345 = vector.broadcast %mul3A_344 : f32 to vector<256x128xf32>
    %mul3A_346 = arith.mulf %mul3A_345, %tanh3A_343 : vector<256x128xf32>
    %add3A_347 = arith.constant 5.000000e-01 : f32
    %add3A_348 = vector.broadcast %add3A_347 : f32 to vector<256x128xf32>
    %add3A_349 = arith.addf %mul3A_346, %add3A_348 : vector<256x128xf32>
    %tanh3A_350 = math.tanh %add3A_338 : vector<256x128xf32>
    %mul3A_351 = arith.mulf %add3A_349, %tanh3A_350 : vector<256x128xf32>
    %reshape3A_352 = vector.shape_cast %mul3A_351 : vector<256x128xf32> to vector<8x32x128xf32>
    %reduce_sum3A_353 = arith.constant dense<0.000000e+00> : vector<8x128xf32>
    %reduce_sum3A_354 = vector.multi_reduction <add>, %reshape3A_352, %reduce_sum3A_353 [1] : vector<8x32x128xf32> to vector<8x128xf32>
    %add3A_355 = arith.addf %add3A_278, %reduce_sum3A_354 : vector<8x128xf32>
    %get3A_356 = arith.constant 0 : index
    %get3A_357 = arith.constant 992 : index
    %get3A_358 = arith.constant 0 : index
    %get3A_359 = arith.constant 0 : index
    %get3A_360 = vector.load %arg1[%get3A_356, %get3A_357, %get3A_358, %get3A_359] : memref<8x1023x2x128xbf16, #tpu.memory_space<vmem>>, vector<8x16x1x128xbf16>
    %get3A_361 = vector.shape_cast %get3A_360 : vector<8x16x1x128xbf16> to vector<8x16x128xbf16>
    %reshape3A_362 = vector.shape_cast %get3A_361 : vector<8x16x128xbf16> to vector<128x128xbf16>
    %dot_general3A_363 = arith.constant dense<0.000000e+00> : vector<128x384xf32>
    %dot_general3A_364 = tpu.matmul %reshape3A_362, %get3A_1, %dot_general3A_363 {dimension_numbers = #tpu.dot_dimension_numbers<[1], [0], [0], [1], [0, 0, 1, 1], [], []>, transpose_lhs_hint = false} : vector<128x128xbf16>, vector<128x384xbf16>, vector<128x384xf32> -> vector<128x384xf32>
    %add3A_365 = vector.broadcast %get3A_4 : vector<1x384xf32> to vector<128x384xf32>
    %add3A_366 = arith.addf %dot_general3A_364, %add3A_365 : vector<128x384xf32>
    %convert_element_type3A_367 = arith.truncf %mul3A_351 : vector<256x128xf32> to vector<256x128xbf16>
    %dot_general3A_368 = arith.constant dense<0.000000e+00> : vector<256x128xf32>
    %dot_general3A_369 = tpu.matmul %convert_element_type3A_367, %get3A_10, %dot_general3A_368 {dimension_numbers = #tpu.dot_dimension_numbers<[1], [0], [0], [1], [0, 0, 1, 1], [], []>, transpose_lhs_hint = false} : vector<256x128xbf16>, vector<128x128xbf16>, vector<256x128xf32> -> vector<256x128xf32>
    %add3A_370 = vector.broadcast %get3A_13 : vector<1x128xf32> to vector<256x128xf32>
    %add3A_371 = arith.addf %dot_general3A_369, %add3A_370 : vector<256x128xf32>
    %mul3A_372 = arith.constant 5.000000e-01 : f32
    %mul3A_373 = vector.broadcast %mul3A_372 : f32 to vector<256x128xf32>
    %mul3A_374 = arith.mulf %mul3A_373, %add3A_371 : vector<256x128xf32>
    %tanh3A_375 = math.tanh %mul3A_374 : vector<256x128xf32>
    %mul3A_376 = arith.constant 5.000000e-01 : f32
    %mul3A_377 = vector.broadcast %mul3A_376 : f32 to vector<256x128xf32>
    %mul3A_378 = arith.mulf %mul3A_377, %tanh3A_375 : vector<256x128xf32>
    %add3A_379 = arith.constant 5.000000e-01 : f32
    %add3A_380 = vector.broadcast %add3A_379 : f32 to vector<256x128xf32>
    %add3A_381 = arith.addf %mul3A_378, %add3A_380 : vector<256x128xf32>
    %mul3A_382 = arith.mulf %add3A_381, %add3A_338 : vector<256x128xf32>
    %reshape3A_383 = vector.shape_cast %mul3A_351 : vector<256x128xf32> to vector<8x2x16x128xf32>
    %reshape3A_384 = vector.shape_cast %mul3A_382 : vector<256x128xf32> to vector<8x2x16x128xf32>
    %slice3A_385 = vector.extract_strided_slice %reshape3A_383 {offsets = [0, 0, 0, 0], sizes = [8, 1, 16, 128], strides = [1, 1, 1, 1]} : vector<8x2x16x128xf32> to vector<8x1x16x128xf32>
    %squeeze3A_386 = vector.shape_cast %slice3A_385 : vector<8x1x16x128xf32> to vector<8x16x128xf32>
    %slice3A_387 = vector.extract_strided_slice %reshape3A_383 {offsets = [0, 1, 0, 0], sizes = [8, 1, 16, 128], strides = [1, 1, 1, 1]} : vector<8x2x16x128xf32> to vector<8x1x16x128xf32>
    %squeeze3A_388 = vector.shape_cast %slice3A_387 : vector<8x1x16x128xf32> to vector<8x16x128xf32>
    %add3A_389 = arith.addf %squeeze3A_386, %squeeze3A_388 : vector<8x16x128xf32>
    %reshape3A_390 = vector.shape_cast %add3A_389 : vector<8x16x128xf32> to vector<128x128xf32>
    %slice3A_391 = vector.extract_strided_slice %reshape3A_384 {offsets = [0, 0, 0, 0], sizes = [8, 1, 16, 128], strides = [1, 1, 1, 1]} : vector<8x2x16x128xf32> to vector<8x1x16x128xf32>
    %squeeze3A_392 = vector.shape_cast %slice3A_391 : vector<8x1x16x128xf32> to vector<8x16x128xf32>
    %slice3A_393 = vector.extract_strided_slice %reshape3A_384 {offsets = [0, 1, 0, 0], sizes = [8, 1, 16, 128], strides = [1, 1, 1, 1]} : vector<8x2x16x128xf32> to vector<8x1x16x128xf32>
    %squeeze3A_394 = vector.shape_cast %slice3A_393 : vector<8x1x16x128xf32> to vector<8x16x128xf32>
    %add3A_395 = arith.addf %squeeze3A_392, %squeeze3A_394 : vector<8x16x128xf32>
    %reshape3A_396 = vector.shape_cast %add3A_395 : vector<8x16x128xf32> to vector<128x128xf32>
    %convert_element_type3A_397 = arith.truncf %reshape3A_390 : vector<128x128xf32> to vector<128x128xbf16>
    %dot_general3A_398 = arith.constant dense<0.000000e+00> : vector<128x384xf32>
    %dot_general3A_399 = tpu.matmul %convert_element_type3A_397, %get3A_7, %dot_general3A_398 {dimension_numbers = #tpu.dot_dimension_numbers<[1], [0], [0], [1], [0, 0, 1, 1], [], []>, transpose_lhs_hint = false} : vector<128x128xbf16>, vector<128x384xbf16>, vector<128x384xf32> -> vector<128x384xf32>
    %add3A_400 = arith.addf %add3A_366, %dot_general3A_399 : vector<128x384xf32>
    %slice3A_401 = vector.extract_strided_slice %add3A_400 {offsets = [0, 0], sizes = [128, 128], strides = [1, 1]} : vector<128x384xf32> to vector<128x128xf32>
    %mul3A_402 = arith.constant 5.000000e-01 : f32
    %mul3A_403 = vector.broadcast %mul3A_402 : f32 to vector<128x128xf32>
    %mul3A_404 = arith.mulf %mul3A_403, %slice3A_401 : vector<128x128xf32>
    %tanh3A_405 = math.tanh %mul3A_404 : vector<128x128xf32>
    %mul3A_406 = arith.constant 5.000000e-01 : f32
    %mul3A_407 = vector.broadcast %mul3A_406 : f32 to vector<128x128xf32>
    %mul3A_408 = arith.mulf %mul3A_407, %tanh3A_405 : vector<128x128xf32>
    %add3A_409 = arith.constant 5.000000e-01 : f32
    %add3A_410 = vector.broadcast %add3A_409 : f32 to vector<128x128xf32>
    %add3A_411 = arith.addf %mul3A_408, %add3A_410 : vector<128x128xf32>
    %slice3A_412 = vector.extract_strided_slice %add3A_400 {offsets = [0, 256], sizes = [128, 128], strides = [1, 1]} : vector<128x384xf32> to vector<128x128xf32>
    %tanh3A_413 = math.tanh %slice3A_412 : vector<128x128xf32>
    %mul3A_414 = arith.mulf %add3A_411, %tanh3A_413 : vector<128x128xf32>
    %add3A_415 = arith.addf %mul3A_414, %reshape3A_396 : vector<128x128xf32>
    %slice3A_416 = vector.extract_strided_slice %add3A_400 {offsets = [0, 128], sizes = [128, 128], strides = [1, 1]} : vector<128x384xf32> to vector<128x128xf32>
    %mul3A_417 = arith.constant 5.000000e-01 : f32
    %mul3A_418 = vector.broadcast %mul3A_417 : f32 to vector<128x128xf32>
    %mul3A_419 = arith.mulf %mul3A_418, %slice3A_416 : vector<128x128xf32>
    %tanh3A_420 = math.tanh %mul3A_419 : vector<128x128xf32>
    %mul3A_421 = arith.constant 5.000000e-01 : f32
    %mul3A_422 = vector.broadcast %mul3A_421 : f32 to vector<128x128xf32>
    %mul3A_423 = arith.mulf %mul3A_422, %tanh3A_420 : vector<128x128xf32>
    %add3A_424 = arith.constant 5.000000e-01 : f32
    %add3A_425 = vector.broadcast %add3A_424 : f32 to vector<128x128xf32>
    %add3A_426 = arith.addf %mul3A_423, %add3A_425 : vector<128x128xf32>
    %tanh3A_427 = math.tanh %add3A_415 : vector<128x128xf32>
    %mul3A_428 = arith.mulf %add3A_426, %tanh3A_427 : vector<128x128xf32>
    %reshape3A_429 = vector.shape_cast %mul3A_428 : vector<128x128xf32> to vector<8x16x128xf32>
    %reduce_sum3A_430 = arith.constant dense<0.000000e+00> : vector<8x128xf32>
    %reduce_sum3A_431 = vector.multi_reduction <add>, %reshape3A_429, %reduce_sum3A_430 [1] : vector<8x16x128xf32> to vector<8x128xf32>
    %add3A_432 = arith.addf %add3A_355, %reduce_sum3A_431 : vector<8x128xf32>
    %get3A_433 = arith.constant 0 : index
    %get3A_434 = arith.constant 1008 : index
    %get3A_435 = arith.constant 0 : index
    %get3A_436 = arith.constant 0 : index
    %get3A_437 = vector.load %arg1[%get3A_433, %get3A_434, %get3A_435, %get3A_436] : memref<8x1023x2x128xbf16, #tpu.memory_space<vmem>>, vector<8x8x1x128xbf16>
    %get3A_438 = vector.shape_cast %get3A_437 : vector<8x8x1x128xbf16> to vector<8x8x128xbf16>
    %reshape3A_439 = vector.shape_cast %get3A_438 : vector<8x8x128xbf16> to vector<64x128xbf16>
    %dot_general3A_440 = arith.constant dense<0.000000e+00> : vector<64x384xf32>
    %dot_general3A_441 = tpu.matmul %reshape3A_439, %get3A_1, %dot_general3A_440 {dimension_numbers = #tpu.dot_dimension_numbers<[1], [0], [0], [1], [0, 0, 1, 1], [], []>, transpose_lhs_hint = false} : vector<64x128xbf16>, vector<128x384xbf16>, vector<64x384xf32> -> vector<64x384xf32>
    %add3A_442 = vector.broadcast %get3A_4 : vector<1x384xf32> to vector<64x384xf32>
    %add3A_443 = arith.addf %dot_general3A_441, %add3A_442 : vector<64x384xf32>
    %convert_element_type3A_444 = arith.truncf %mul3A_428 : vector<128x128xf32> to vector<128x128xbf16>
    %dot_general3A_445 = arith.constant dense<0.000000e+00> : vector<128x128xf32>
    %dot_general3A_446 = tpu.matmul %convert_element_type3A_444, %get3A_10, %dot_general3A_445 {dimension_numbers = #tpu.dot_dimension_numbers<[1], [0], [0], [1], [0, 0, 1, 1], [], []>, transpose_lhs_hint = false} : vector<128x128xbf16>, vector<128x128xbf16>, vector<128x128xf32> -> vector<128x128xf32>
    %add3A_447 = vector.broadcast %get3A_13 : vector<1x128xf32> to vector<128x128xf32>
    %add3A_448 = arith.addf %dot_general3A_446, %add3A_447 : vector<128x128xf32>
    %mul3A_449 = arith.constant 5.000000e-01 : f32
    %mul3A_450 = vector.broadcast %mul3A_449 : f32 to vector<128x128xf32>
    %mul3A_451 = arith.mulf %mul3A_450, %add3A_448 : vector<128x128xf32>
    %tanh3A_452 = math.tanh %mul3A_451 : vector<128x128xf32>
    %mul3A_453 = arith.constant 5.000000e-01 : f32
    %mul3A_454 = vector.broadcast %mul3A_453 : f32 to vector<128x128xf32>
    %mul3A_455 = arith.mulf %mul3A_454, %tanh3A_452 : vector<128x128xf32>
    %add3A_456 = arith.constant 5.000000e-01 : f32
    %add3A_457 = vector.broadcast %add3A_456 : f32 to vector<128x128xf32>
    %add3A_458 = arith.addf %mul3A_455, %add3A_457 : vector<128x128xf32>
    %mul3A_459 = arith.mulf %add3A_458, %add3A_415 : vector<128x128xf32>
    %reshape3A_460 = vector.shape_cast %mul3A_428 : vector<128x128xf32> to vector<8x2x8x128xf32>
    %reshape3A_461 = vector.shape_cast %mul3A_459 : vector<128x128xf32> to vector<8x2x8x128xf32>
    %slice3A_462 = vector.extract_strided_slice %reshape3A_460 {offsets = [0, 0, 0, 0], sizes = [8, 1, 8, 128], strides = [1, 1, 1, 1]} : vector<8x2x8x128xf32> to vector<8x1x8x128xf32>
    %squeeze3A_463 = vector.shape_cast %slice3A_462 : vector<8x1x8x128xf32> to vector<8x8x128xf32>
    %slice3A_464 = vector.extract_strided_slice %reshape3A_460 {offsets = [0, 1, 0, 0], sizes = [8, 1, 8, 128], strides = [1, 1, 1, 1]} : vector<8x2x8x128xf32> to vector<8x1x8x128xf32>
    %squeeze3A_465 = vector.shape_cast %slice3A_464 : vector<8x1x8x128xf32> to vector<8x8x128xf32>
    %add3A_466 = arith.addf %squeeze3A_463, %squeeze3A_465 : vector<8x8x128xf32>
    %reshape3A_467 = vector.shape_cast %add3A_466 : vector<8x8x128xf32> to vector<64x128xf32>
    %slice3A_468 = vector.extract_strided_slice %reshape3A_461 {offsets = [0, 0, 0, 0], sizes = [8, 1, 8, 128], strides = [1, 1, 1, 1]} : vector<8x2x8x128xf32> to vector<8x1x8x128xf32>
    %squeeze3A_469 = vector.shape_cast %slice3A_468 : vector<8x1x8x128xf32> to vector<8x8x128xf32>
    %slice3A_470 = vector.extract_strided_slice %reshape3A_461 {offsets = [0, 1, 0, 0], sizes = [8, 1, 8, 128], strides = [1, 1, 1, 1]} : vector<8x2x8x128xf32> to vector<8x1x8x128xf32>
    %squeeze3A_471 = vector.shape_cast %slice3A_470 : vector<8x1x8x128xf32> to vector<8x8x128xf32>
    %add3A_472 = arith.addf %squeeze3A_469, %squeeze3A_471 : vector<8x8x128xf32>
    %reshape3A_473 = vector.shape_cast %add3A_472 : vector<8x8x128xf32> to vector<64x128xf32>
    %convert_element_type3A_474 = arith.truncf %reshape3A_467 : vector<64x128xf32> to vector<64x128xbf16>
    %dot_general3A_475 = arith.constant dense<0.000000e+00> : vector<64x384xf32>
    %dot_general3A_476 = tpu.matmul %convert_element_type3A_474, %get3A_7, %dot_general3A_475 {dimension_numbers = #tpu.dot_dimension_numbers<[1], [0], [0], [1], [0, 0, 1, 1], [], []>, transpose_lhs_hint = false} : vector<64x128xbf16>, vector<128x384xbf16>, vector<64x384xf32> -> vector<64x384xf32>
    %add3A_477 = arith.addf %add3A_443, %dot_general3A_476 : vector<64x384xf32>
    %slice3A_478 = vector.extract_strided_slice %add3A_477 {offsets = [0, 0], sizes = [64, 128], strides = [1, 1]} : vector<64x384xf32> to vector<64x128xf32>
    %mul3A_479 = arith.constant 5.000000e-01 : f32
    %mul3A_480 = vector.broadcast %mul3A_479 : f32 to vector<64x128xf32>
    %mul3A_481 = arith.mulf %mul3A_480, %slice3A_478 : vector<64x128xf32>
    %tanh3A_482 = math.tanh %mul3A_481 : vector<64x128xf32>
    %mul3A_483 = arith.constant 5.000000e-01 : f32
    %mul3A_484 = vector.broadcast %mul3A_483 : f32 to vector<64x128xf32>
    %mul3A_485 = arith.mulf %mul3A_484, %tanh3A_482 : vector<64x128xf32>
    %add3A_486 = arith.constant 5.000000e-01 : f32
    %add3A_487 = vector.broadcast %add3A_486 : f32 to vector<64x128xf32>
    %add3A_488 = arith.addf %mul3A_485, %add3A_487 : vector<64x128xf32>
    %slice3A_489 = vector.extract_strided_slice %add3A_477 {offsets = [0, 256], sizes = [64, 128], strides = [1, 1]} : vector<64x384xf32> to vector<64x128xf32>
    %tanh3A_490 = math.tanh %slice3A_489 : vector<64x128xf32>
    %mul3A_491 = arith.mulf %add3A_488, %tanh3A_490 : vector<64x128xf32>
    %add3A_492 = arith.addf %mul3A_491, %reshape3A_473 : vector<64x128xf32>
    %slice3A_493 = vector.extract_strided_slice %add3A_477 {offsets = [0, 128], sizes = [64, 128], strides = [1, 1]} : vector<64x384xf32> to vector<64x128xf32>
    %mul3A_494 = arith.constant 5.000000e-01 : f32
    %mul3A_495 = vector.broadcast %mul3A_494 : f32 to vector<64x128xf32>
    %mul3A_496 = arith.mulf %mul3A_495, %slice3A_493 : vector<64x128xf32>
    %tanh3A_497 = math.tanh %mul3A_496 : vector<64x128xf32>
    %mul3A_498 = arith.constant 5.000000e-01 : f32
    %mul3A_499 = vector.broadcast %mul3A_498 : f32 to vector<64x128xf32>
    %mul3A_500 = arith.mulf %mul3A_499, %tanh3A_497 : vector<64x128xf32>
    %add3A_501 = arith.constant 5.000000e-01 : f32
    %add3A_502 = vector.broadcast %add3A_501 : f32 to vector<64x128xf32>
    %add3A_503 = arith.addf %mul3A_500, %add3A_502 : vector<64x128xf32>
    %tanh3A_504 = math.tanh %add3A_492 : vector<64x128xf32>
    %mul3A_505 = arith.mulf %add3A_503, %tanh3A_504 : vector<64x128xf32>
    %reshape3A_506 = vector.shape_cast %mul3A_505 : vector<64x128xf32> to vector<8x8x128xf32>
    %reduce_sum3A_507 = arith.constant dense<0.000000e+00> : vector<8x128xf32>
    %reduce_sum3A_508 = vector.multi_reduction <add>, %reshape3A_506, %reduce_sum3A_507 [1] : vector<8x8x128xf32> to vector<8x128xf32>
    %add3A_509 = arith.addf %add3A_432, %reduce_sum3A_508 : vector<8x128xf32>
    %get3A_510 = arith.constant 0 : index
    %get3A_511 = arith.constant 1016 : index
    %get3A_512 = arith.constant 0 : index
    %get3A_513 = arith.constant 0 : index
    %get3A_514 = vector.load %arg1[%get3A_510, %get3A_511, %get3A_512, %get3A_513] : memref<8x1023x2x128xbf16, #tpu.memory_space<vmem>>, vector<8x4x1x128xbf16>
    %get3A_515 = vector.shape_cast %get3A_514 : vector<8x4x1x128xbf16> to vector<8x4x128xbf16>
    %reshape3A_516 = vector.shape_cast %get3A_515 : vector<8x4x128xbf16> to vector<32x128xbf16>
    %dot_general3A_517 = arith.constant dense<0.000000e+00> : vector<32x384xf32>
    %dot_general3A_518 = tpu.matmul %reshape3A_516, %get3A_1, %dot_general3A_517 {dimension_numbers = #tpu.dot_dimension_numbers<[1], [0], [0], [1], [0, 0, 1, 1], [], []>, transpose_lhs_hint = false} : vector<32x128xbf16>, vector<128x384xbf16>, vector<32x384xf32> -> vector<32x384xf32>
    %add3A_519 = vector.broadcast %get3A_4 : vector<1x384xf32> to vector<32x384xf32>
    %add3A_520 = arith.addf %dot_general3A_518, %add3A_519 : vector<32x384xf32>
    %convert_element_type3A_521 = arith.truncf %mul3A_505 : vector<64x128xf32> to vector<64x128xbf16>
    %dot_general3A_522 = arith.constant dense<0.000000e+00> : vector<64x128xf32>
    %dot_general3A_523 = tpu.matmul %convert_element_type3A_521, %get3A_10, %dot_general3A_522 {dimension_numbers = #tpu.dot_dimension_numbers<[1], [0], [0], [1], [0, 0, 1, 1], [], []>, transpose_lhs_hint = false} : vector<64x128xbf16>, vector<128x128xbf16>, vector<64x128xf32> -> vector<64x128xf32>
    %add3A_524 = vector.broadcast %get3A_13 : vector<1x128xf32> to vector<64x128xf32>
    %add3A_525 = arith.addf %dot_general3A_523, %add3A_524 : vector<64x128xf32>
    %mul3A_526 = arith.constant 5.000000e-01 : f32
    %mul3A_527 = vector.broadcast %mul3A_526 : f32 to vector<64x128xf32>
    %mul3A_528 = arith.mulf %mul3A_527, %add3A_525 : vector<64x128xf32>
    %tanh3A_529 = math.tanh %mul3A_528 : vector<64x128xf32>
    %mul3A_530 = arith.constant 5.000000e-01 : f32
    %mul3A_531 = vector.broadcast %mul3A_530 : f32 to vector<64x128xf32>
    %mul3A_532 = arith.mulf %mul3A_531, %tanh3A_529 : vector<64x128xf32>
    %add3A_533 = arith.constant 5.000000e-01 : f32
    %add3A_534 = vector.broadcast %add3A_533 : f32 to vector<64x128xf32>
    %add3A_535 = arith.addf %mul3A_532, %add3A_534 : vector<64x128xf32>
    %mul3A_536 = arith.mulf %add3A_535, %add3A_492 : vector<64x128xf32>
    %reshape3A_537 = vector.shape_cast %mul3A_505 : vector<64x128xf32> to vector<8x2x4x128xf32>
    %reshape3A_538 = vector.shape_cast %mul3A_536 : vector<64x128xf32> to vector<8x2x4x128xf32>
    %slice3A_539 = vector.extract_strided_slice %reshape3A_537 {offsets = [0, 0, 0, 0], sizes = [8, 1, 4, 128], strides = [1, 1, 1, 1]} : vector<8x2x4x128xf32> to vector<8x1x4x128xf32>
    %squeeze3A_540 = vector.shape_cast %slice3A_539 : vector<8x1x4x128xf32> to vector<8x4x128xf32>
    %slice3A_541 = vector.extract_strided_slice %reshape3A_537 {offsets = [0, 1, 0, 0], sizes = [8, 1, 4, 128], strides = [1, 1, 1, 1]} : vector<8x2x4x128xf32> to vector<8x1x4x128xf32>
    %squeeze3A_542 = vector.shape_cast %slice3A_541 : vector<8x1x4x128xf32> to vector<8x4x128xf32>
    %add3A_543 = arith.addf %squeeze3A_540, %squeeze3A_542 : vector<8x4x128xf32>
    %reshape3A_544 = vector.shape_cast %add3A_543 : vector<8x4x128xf32> to vector<32x128xf32>
    %slice3A_545 = vector.extract_strided_slice %reshape3A_538 {offsets = [0, 0, 0, 0], sizes = [8, 1, 4, 128], strides = [1, 1, 1, 1]} : vector<8x2x4x128xf32> to vector<8x1x4x128xf32>
    %squeeze3A_546 = vector.shape_cast %slice3A_545 : vector<8x1x4x128xf32> to vector<8x4x128xf32>
    %slice3A_547 = vector.extract_strided_slice %reshape3A_538 {offsets = [0, 1, 0, 0], sizes = [8, 1, 4, 128], strides = [1, 1, 1, 1]} : vector<8x2x4x128xf32> to vector<8x1x4x128xf32>
    %squeeze3A_548 = vector.shape_cast %slice3A_547 : vector<8x1x4x128xf32> to vector<8x4x128xf32>
    %add3A_549 = arith.addf %squeeze3A_546, %squeeze3A_548 : vector<8x4x128xf32>
    %reshape3A_550 = vector.shape_cast %add3A_549 : vector<8x4x128xf32> to vector<32x128xf32>
    %convert_element_type3A_551 = arith.truncf %reshape3A_544 : vector<32x128xf32> to vector<32x128xbf16>
    %dot_general3A_552 = arith.constant dense<0.000000e+00> : vector<32x384xf32>
    %dot_general3A_553 = tpu.matmul %convert_element_type3A_551, %get3A_7, %dot_general3A_552 {dimension_numbers = #tpu.dot_dimension_numbers<[1], [0], [0], [1], [0, 0, 1, 1], [], []>, transpose_lhs_hint = false} : vector<32x128xbf16>, vector<128x384xbf16>, vector<32x384xf32> -> vector<32x384xf32>
    %add3A_554 = arith.addf %add3A_520, %dot_general3A_553 : vector<32x384xf32>
    %slice3A_555 = vector.extract_strided_slice %add3A_554 {offsets = [0, 0], sizes = [32, 128], strides = [1, 1]} : vector<32x384xf32> to vector<32x128xf32>
    %mul3A_556 = arith.constant 5.000000e-01 : f32
    %mul3A_557 = vector.broadcast %mul3A_556 : f32 to vector<32x128xf32>
    %mul3A_558 = arith.mulf %mul3A_557, %slice3A_555 : vector<32x128xf32>
    %tanh3A_559 = math.tanh %mul3A_558 : vector<32x128xf32>
    %mul3A_560 = arith.constant 5.000000e-01 : f32
    %mul3A_561 = vector.broadcast %mul3A_560 : f32 to vector<32x128xf32>
    %mul3A_562 = arith.mulf %mul3A_561, %tanh3A_559 : vector<32x128xf32>
    %add3A_563 = arith.constant 5.000000e-01 : f32
    %add3A_564 = vector.broadcast %add3A_563 : f32 to vector<32x128xf32>
    %add3A_565 = arith.addf %mul3A_562, %add3A_564 : vector<32x128xf32>
    %slice3A_566 = vector.extract_strided_slice %add3A_554 {offsets = [0, 256], sizes = [32, 128], strides = [1, 1]} : vector<32x384xf32> to vector<32x128xf32>
    %tanh3A_567 = math.tanh %slice3A_566 : vector<32x128xf32>
    %mul3A_568 = arith.mulf %add3A_565, %tanh3A_567 : vector<32x128xf32>
    %add3A_569 = arith.addf %mul3A_568, %reshape3A_550 : vector<32x128xf32>
    %slice3A_570 = vector.extract_strided_slice %add3A_554 {offsets = [0, 128], sizes = [32, 128], strides = [1, 1]} : vector<32x384xf32> to vector<32x128xf32>
    %mul3A_571 = arith.constant 5.000000e-01 : f32
    %mul3A_572 = vector.broadcast %mul3A_571 : f32 to vector<32x128xf32>
    %mul3A_573 = arith.mulf %mul3A_572, %slice3A_570 : vector<32x128xf32>
    %tanh3A_574 = math.tanh %mul3A_573 : vector<32x128xf32>
    %mul3A_575 = arith.constant 5.000000e-01 : f32
    %mul3A_576 = vector.broadcast %mul3A_575 : f32 to vector<32x128xf32>
    %mul3A_577 = arith.mulf %mul3A_576, %tanh3A_574 : vector<32x128xf32>
    %add3A_578 = arith.constant 5.000000e-01 : f32
    %add3A_579 = vector.broadcast %add3A_578 : f32 to vector<32x128xf32>
    %add3A_580 = arith.addf %mul3A_577, %add3A_579 : vector<32x128xf32>
    %tanh3A_581 = math.tanh %add3A_569 : vector<32x128xf32>
    %mul3A_582 = arith.mulf %add3A_580, %tanh3A_581 : vector<32x128xf32>
    %reshape3A_583 = vector.shape_cast %mul3A_582 : vector<32x128xf32> to vector<8x4x128xf32>
    %reduce_sum3A_584 = arith.constant dense<0.000000e+00> : vector<8x128xf32>
    %reduce_sum3A_585 = vector.multi_reduction <add>, %reshape3A_583, %reduce_sum3A_584 [1] : vector<8x4x128xf32> to vector<8x128xf32>
    %add3A_586 = arith.addf %add3A_509, %reduce_sum3A_585 : vector<8x128xf32>
    %get3A_587 = arith.constant 0 : index
    %get3A_588 = arith.constant 1020 : index
    %get3A_589 = arith.constant 0 : index
    %get3A_590 = arith.constant 0 : index
    %get3A_591 = vector.load %arg1[%get3A_587, %get3A_588, %get3A_589, %get3A_590] : memref<8x1023x2x128xbf16, #tpu.memory_space<vmem>>, vector<8x2x1x128xbf16>
    %get3A_592 = vector.shape_cast %get3A_591 : vector<8x2x1x128xbf16> to vector<8x2x128xbf16>
    %reshape3A_593 = vector.shape_cast %get3A_592 : vector<8x2x128xbf16> to vector<16x128xbf16>
    %dot_general3A_594 = arith.constant dense<0.000000e+00> : vector<16x384xf32>
    %dot_general3A_595 = tpu.matmul %reshape3A_593, %get3A_1, %dot_general3A_594 {dimension_numbers = #tpu.dot_dimension_numbers<[1], [0], [0], [1], [0, 0, 1, 1], [], []>, transpose_lhs_hint = false} : vector<16x128xbf16>, vector<128x384xbf16>, vector<16x384xf32> -> vector<16x384xf32>
    %add3A_596 = vector.broadcast %get3A_4 : vector<1x384xf32> to vector<16x384xf32>
    %add3A_597 = arith.addf %dot_general3A_595, %add3A_596 : vector<16x384xf32>
    %convert_element_type3A_598 = arith.truncf %mul3A_582 : vector<32x128xf32> to vector<32x128xbf16>
    %dot_general3A_599 = arith.constant dense<0.000000e+00> : vector<32x128xf32>
    %dot_general3A_600 = tpu.matmul %convert_element_type3A_598, %get3A_10, %dot_general3A_599 {dimension_numbers = #tpu.dot_dimension_numbers<[1], [0], [0], [1], [0, 0, 1, 1], [], []>, transpose_lhs_hint = false} : vector<32x128xbf16>, vector<128x128xbf16>, vector<32x128xf32> -> vector<32x128xf32>
    %add3A_601 = vector.broadcast %get3A_13 : vector<1x128xf32> to vector<32x128xf32>
    %add3A_602 = arith.addf %dot_general3A_600, %add3A_601 : vector<32x128xf32>
    %mul3A_603 = arith.constant 5.000000e-01 : f32
    %mul3A_604 = vector.broadcast %mul3A_603 : f32 to vector<32x128xf32>
    %mul3A_605 = arith.mulf %mul3A_604, %add3A_602 : vector<32x128xf32>
    %tanh3A_606 = math.tanh %mul3A_605 : vector<32x128xf32>
    %mul3A_607 = arith.constant 5.000000e-01 : f32
    %mul3A_608 = vector.broadcast %mul3A_607 : f32 to vector<32x128xf32>
    %mul3A_609 = arith.mulf %mul3A_608, %tanh3A_606 : vector<32x128xf32>
    %add3A_610 = arith.constant 5.000000e-01 : f32
    %add3A_611 = vector.broadcast %add3A_610 : f32 to vector<32x128xf32>
    %add3A_612 = arith.addf %mul3A_609, %add3A_611 : vector<32x128xf32>
    %mul3A_613 = arith.mulf %add3A_612, %add3A_569 : vector<32x128xf32>
    %reshape3A_614 = vector.shape_cast %mul3A_582 : vector<32x128xf32> to vector<8x2x2x128xf32>
    %reshape3A_615 = vector.shape_cast %mul3A_613 : vector<32x128xf32> to vector<8x2x2x128xf32>
    %slice3A_616 = vector.extract_strided_slice %reshape3A_614 {offsets = [0, 0, 0, 0], sizes = [8, 1, 2, 128], strides = [1, 1, 1, 1]} : vector<8x2x2x128xf32> to vector<8x1x2x128xf32>
    %squeeze3A_617 = vector.shape_cast %slice3A_616 : vector<8x1x2x128xf32> to vector<8x2x128xf32>
    %slice3A_618 = vector.extract_strided_slice %reshape3A_614 {offsets = [0, 1, 0, 0], sizes = [8, 1, 2, 128], strides = [1, 1, 1, 1]} : vector<8x2x2x128xf32> to vector<8x1x2x128xf32>
    %squeeze3A_619 = vector.shape_cast %slice3A_618 : vector<8x1x2x128xf32> to vector<8x2x128xf32>
    %add3A_620 = arith.addf %squeeze3A_617, %squeeze3A_619 : vector<8x2x128xf32>
    %reshape3A_621 = vector.shape_cast %add3A_620 : vector<8x2x128xf32> to vector<16x128xf32>
    %slice3A_622 = vector.extract_strided_slice %reshape3A_615 {offsets = [0, 0, 0, 0], sizes = [8, 1, 2, 128], strides = [1, 1, 1, 1]} : vector<8x2x2x128xf32> to vector<8x1x2x128xf32>
    %squeeze3A_623 = vector.shape_cast %slice3A_622 : vector<8x1x2x128xf32> to vector<8x2x128xf32>
    %slice3A_624 = vector.extract_strided_slice %reshape3A_615 {offsets = [0, 1, 0, 0], sizes = [8, 1, 2, 128], strides = [1, 1, 1, 1]} : vector<8x2x2x128xf32> to vector<8x1x2x128xf32>
    %squeeze3A_625 = vector.shape_cast %slice3A_624 : vector<8x1x2x128xf32> to vector<8x2x128xf32>
    %add3A_626 = arith.addf %squeeze3A_623, %squeeze3A_625 : vector<8x2x128xf32>
    %reshape3A_627 = vector.shape_cast %add3A_626 : vector<8x2x128xf32> to vector<16x128xf32>
    %convert_element_type3A_628 = arith.truncf %reshape3A_621 : vector<16x128xf32> to vector<16x128xbf16>
    %dot_general3A_629 = arith.constant dense<0.000000e+00> : vector<16x384xf32>
    %dot_general3A_630 = tpu.matmul %convert_element_type3A_628, %get3A_7, %dot_general3A_629 {dimension_numbers = #tpu.dot_dimension_numbers<[1], [0], [0], [1], [0, 0, 1, 1], [], []>, transpose_lhs_hint = false} : vector<16x128xbf16>, vector<128x384xbf16>, vector<16x384xf32> -> vector<16x384xf32>
    %add3A_631 = arith.addf %add3A_597, %dot_general3A_630 : vector<16x384xf32>
    %slice3A_632 = vector.extract_strided_slice %add3A_631 {offsets = [0, 0], sizes = [16, 128], strides = [1, 1]} : vector<16x384xf32> to vector<16x128xf32>
    %mul3A_633 = arith.constant 5.000000e-01 : f32
    %mul3A_634 = vector.broadcast %mul3A_633 : f32 to vector<16x128xf32>
    %mul3A_635 = arith.mulf %mul3A_634, %slice3A_632 : vector<16x128xf32>
    %tanh3A_636 = math.tanh %mul3A_635 : vector<16x128xf32>
    %mul3A_637 = arith.constant 5.000000e-01 : f32
    %mul3A_638 = vector.broadcast %mul3A_637 : f32 to vector<16x128xf32>
    %mul3A_639 = arith.mulf %mul3A_638, %tanh3A_636 : vector<16x128xf32>
    %add3A_640 = arith.constant 5.000000e-01 : f32
    %add3A_641 = vector.broadcast %add3A_640 : f32 to vector<16x128xf32>
    %add3A_642 = arith.addf %mul3A_639, %add3A_641 : vector<16x128xf32>
    %slice3A_643 = vector.extract_strided_slice %add3A_631 {offsets = [0, 256], sizes = [16, 128], strides = [1, 1]} : vector<16x384xf32> to vector<16x128xf32>
    %tanh3A_644 = math.tanh %slice3A_643 : vector<16x128xf32>
    %mul3A_645 = arith.mulf %add3A_642, %tanh3A_644 : vector<16x128xf32>
    %add3A_646 = arith.addf %mul3A_645, %reshape3A_627 : vector<16x128xf32>
    %slice3A_647 = vector.extract_strided_slice %add3A_631 {offsets = [0, 128], sizes = [16, 128], strides = [1, 1]} : vector<16x384xf32> to vector<16x128xf32>
    %mul3A_648 = arith.constant 5.000000e-01 : f32
    %mul3A_649 = vector.broadcast %mul3A_648 : f32 to vector<16x128xf32>
    %mul3A_650 = arith.mulf %mul3A_649, %slice3A_647 : vector<16x128xf32>
    %tanh3A_651 = math.tanh %mul3A_650 : vector<16x128xf32>
    %mul3A_652 = arith.constant 5.000000e-01 : f32
    %mul3A_653 = vector.broadcast %mul3A_652 : f32 to vector<16x128xf32>
    %mul3A_654 = arith.mulf %mul3A_653, %tanh3A_651 : vector<16x128xf32>
    %add3A_655 = arith.constant 5.000000e-01 : f32
    %add3A_656 = vector.broadcast %add3A_655 : f32 to vector<16x128xf32>
    %add3A_657 = arith.addf %mul3A_654, %add3A_656 : vector<16x128xf32>
    %tanh3A_658 = math.tanh %add3A_646 : vector<16x128xf32>
    %mul3A_659 = arith.mulf %add3A_657, %tanh3A_658 : vector<16x128xf32>
    %reshape3A_660 = vector.shape_cast %mul3A_659 : vector<16x128xf32> to vector<8x2x128xf32>
    %reduce_sum3A_661 = arith.constant dense<0.000000e+00> : vector<8x128xf32>
    %reduce_sum3A_662 = vector.multi_reduction <add>, %reshape3A_660, %reduce_sum3A_661 [1] : vector<8x2x128xf32> to vector<8x128xf32>
    %add3A_663 = arith.addf %add3A_586, %reduce_sum3A_662 : vector<8x128xf32>
    %get3A_664 = arith.constant 0 : index
    %get3A_665 = arith.constant 1022 : index
    %get3A_666 = arith.constant 0 : index
    %get3A_667 = arith.constant 0 : index
    %get3A_668 = vector.load %arg1[%get3A_664, %get3A_665, %get3A_666, %get3A_667] : memref<8x1023x2x128xbf16, #tpu.memory_space<vmem>>, vector<8x1x1x128xbf16>
    %get3A_669 = vector.shape_cast %get3A_668 : vector<8x1x1x128xbf16> to vector<8x1x128xbf16>
    %reshape3A_670 = vector.shape_cast %get3A_669 : vector<8x1x128xbf16> to vector<8x128xbf16>
    %dot_general3A_671 = arith.constant dense<0.000000e+00> : vector<8x384xf32>
    %dot_general3A_672 = tpu.matmul %reshape3A_670, %get3A_1, %dot_general3A_671 {dimension_numbers = #tpu.dot_dimension_numbers<[1], [0], [0], [1], [0, 0, 1, 1], [], []>, transpose_lhs_hint = false} : vector<8x128xbf16>, vector<128x384xbf16>, vector<8x384xf32> -> vector<8x384xf32>
    %add3A_673 = vector.broadcast %get3A_4 : vector<1x384xf32> to vector<8x384xf32>
    %add3A_674 = arith.addf %dot_general3A_672, %add3A_673 : vector<8x384xf32>
    %convert_element_type3A_675 = arith.truncf %mul3A_659 : vector<16x128xf32> to vector<16x128xbf16>
    %dot_general3A_676 = arith.constant dense<0.000000e+00> : vector<16x128xf32>
    %dot_general3A_677 = tpu.matmul %convert_element_type3A_675, %get3A_10, %dot_general3A_676 {dimension_numbers = #tpu.dot_dimension_numbers<[1], [0], [0], [1], [0, 0, 1, 1], [], []>, transpose_lhs_hint = false} : vector<16x128xbf16>, vector<128x128xbf16>, vector<16x128xf32> -> vector<16x128xf32>
    %add3A_678 = vector.broadcast %get3A_13 : vector<1x128xf32> to vector<16x128xf32>
    %add3A_679 = arith.addf %dot_general3A_677, %add3A_678 : vector<16x128xf32>
    %mul3A_680 = arith.constant 5.000000e-01 : f32
    %mul3A_681 = vector.broadcast %mul3A_680 : f32 to vector<16x128xf32>
    %mul3A_682 = arith.mulf %mul3A_681, %add3A_679 : vector<16x128xf32>
    %tanh3A_683 = math.tanh %mul3A_682 : vector<16x128xf32>
    %mul3A_684 = arith.constant 5.000000e-01 : f32
    %mul3A_685 = vector.broadcast %mul3A_684 : f32 to vector<16x128xf32>
    %mul3A_686 = arith.mulf %mul3A_685, %tanh3A_683 : vector<16x128xf32>
    %add3A_687 = arith.constant 5.000000e-01 : f32
    %add3A_688 = vector.broadcast %add3A_687 : f32 to vector<16x128xf32>
    %add3A_689 = arith.addf %mul3A_686, %add3A_688 : vector<16x128xf32>
    %mul3A_690 = arith.mulf %add3A_689, %add3A_646 : vector<16x128xf32>
    %reshape3A_691 = vector.shape_cast %mul3A_659 : vector<16x128xf32> to vector<8x2x1x128xf32>
    %reshape3A_692 = vector.shape_cast %mul3A_690 : vector<16x128xf32> to vector<8x2x1x128xf32>
    %slice3A_693 = vector.extract_strided_slice %reshape3A_691 {offsets = [0, 0, 0, 0], sizes = [8, 1, 1, 128], strides = [1, 1, 1, 1]} : vector<8x2x1x128xf32> to vector<8x1x1x128xf32>
    %squeeze3A_694 = vector.shape_cast %slice3A_693 : vector<8x1x1x128xf32> to vector<8x1x128xf32>
    %slice3A_695 = vector.extract_strided_slice %reshape3A_691 {offsets = [0, 1, 0, 0], sizes = [8, 1, 1, 128], strides = [1, 1, 1, 1]} : vector<8x2x1x128xf32> to vector<8x1x1x128xf32>
    %squeeze3A_696 = vector.shape_cast %slice3A_695 : vector<8x1x1x128xf32> to vector<8x1x128xf32>
    %add3A_697 = arith.addf %squeeze3A_694, %squeeze3A_696 : vector<8x1x128xf32>
    %reshape3A_698 = vector.shape_cast %add3A_697 : vector<8x1x128xf32> to vector<8x128xf32>
    %slice3A_699 = vector.extract_strided_slice %reshape3A_692 {offsets = [0, 0, 0, 0], sizes = [8, 1, 1, 128], strides = [1, 1, 1, 1]} : vector<8x2x1x128xf32> to vector<8x1x1x128xf32>
    %squeeze3A_700 = vector.shape_cast %slice3A_699 : vector<8x1x1x128xf32> to vector<8x1x128xf32>
    %slice3A_701 = vector.extract_strided_slice %reshape3A_692 {offsets = [0, 1, 0, 0], sizes = [8, 1, 1, 128], strides = [1, 1, 1, 1]} : vector<8x2x1x128xf32> to vector<8x1x1x128xf32>
    %squeeze3A_702 = vector.shape_cast %slice3A_701 : vector<8x1x1x128xf32> to vector<8x1x128xf32>
    %add3A_703 = arith.addf %squeeze3A_700, %squeeze3A_702 : vector<8x1x128xf32>
    %reshape3A_704 = vector.shape_cast %add3A_703 : vector<8x1x128xf32> to vector<8x128xf32>
    %convert_element_type3A_705 = arith.truncf %reshape3A_698 : vector<8x128xf32> to vector<8x128xbf16>
    %dot_general3A_706 = arith.constant dense<0.000000e+00> : vector<8x384xf32>
    %dot_general3A_707 = tpu.matmul %convert_element_type3A_705, %get3A_7, %dot_general3A_706 {dimension_numbers = #tpu.dot_dimension_numbers<[1], [0], [0], [1], [0, 0, 1, 1], [], []>, transpose_lhs_hint = false} : vector<8x128xbf16>, vector<128x384xbf16>, vector<8x384xf32> -> vector<8x384xf32>
    %add3A_708 = arith.addf %add3A_674, %dot_general3A_707 : vector<8x384xf32>
    %slice3A_709 = vector.extract_strided_slice %add3A_708 {offsets = [0, 0], sizes = [8, 128], strides = [1, 1]} : vector<8x384xf32> to vector<8x128xf32>
    %mul3A_710 = arith.constant 5.000000e-01 : f32
    %mul3A_711 = vector.broadcast %mul3A_710 : f32 to vector<8x128xf32>
    %mul3A_712 = arith.mulf %mul3A_711, %slice3A_709 : vector<8x128xf32>
    %tanh3A_713 = math.tanh %mul3A_712 : vector<8x128xf32>
    %mul3A_714 = arith.constant 5.000000e-01 : f32
    %mul3A_715 = vector.broadcast %mul3A_714 : f32 to vector<8x128xf32>
    %mul3A_716 = arith.mulf %mul3A_715, %tanh3A_713 : vector<8x128xf32>
    %add3A_717 = arith.constant 5.000000e-01 : f32
    %add3A_718 = vector.broadcast %add3A_717 : f32 to vector<8x128xf32>
    %add3A_719 = arith.addf %mul3A_716, %add3A_718 : vector<8x128xf32>
    %slice3A_720 = vector.extract_strided_slice %add3A_708 {offsets = [0, 256], sizes = [8, 128], strides = [1, 1]} : vector<8x384xf32> to vector<8x128xf32>
    %tanh3A_721 = math.tanh %slice3A_720 : vector<8x128xf32>
    %mul3A_722 = arith.mulf %add3A_719, %tanh3A_721 : vector<8x128xf32>
    %add3A_723 = arith.addf %mul3A_722, %reshape3A_704 : vector<8x128xf32>
    %slice3A_724 = vector.extract_strided_slice %add3A_708 {offsets = [0, 128], sizes = [8, 128], strides = [1, 1]} : vector<8x384xf32> to vector<8x128xf32>
    %mul3A_725 = arith.constant 5.000000e-01 : f32
    %mul3A_726 = vector.broadcast %mul3A_725 : f32 to vector<8x128xf32>
    %mul3A_727 = arith.mulf %mul3A_726, %slice3A_724 : vector<8x128xf32>
    %tanh3A_728 = math.tanh %mul3A_727 : vector<8x128xf32>
    %mul3A_729 = arith.constant 5.000000e-01 : f32
    %mul3A_730 = vector.broadcast %mul3A_729 : f32 to vector<8x128xf32>
    %mul3A_731 = arith.mulf %mul3A_730, %tanh3A_728 : vector<8x128xf32>
    %add3A_732 = arith.constant 5.000000e-01 : f32
    %add3A_733 = vector.broadcast %add3A_732 : f32 to vector<8x128xf32>
    %add3A_734 = arith.addf %mul3A_731, %add3A_733 : vector<8x128xf32>
    %tanh3A_735 = math.tanh %add3A_723 : vector<8x128xf32>
    %mul3A_736 = arith.mulf %add3A_734, %tanh3A_735 : vector<8x128xf32>
    %reshape3A_737 = vector.shape_cast %mul3A_736 : vector<8x128xf32> to vector<8x1x128xf32>
    %reduce_sum3A_738 = arith.constant dense<0.000000e+00> : vector<8x128xf32>
    %reduce_sum3A_739 = vector.multi_reduction <add>, %reshape3A_737, %reduce_sum3A_738 [1] : vector<8x1x128xf32> to vector<8x128xf32>
    %add3A_740 = arith.addf %add3A_663, %reduce_sum3A_739 : vector<8x128xf32>
    %get3A_741 = arith.constant 0 : index
    %get3A_742 = arith.constant 0 : index
    %get3A_743 = vector.load %arg7[%get3A_741, %get3A_742] : memref<128x384xbf16, #tpu.memory_space<vmem>>, vector<128x384xbf16>
    %get3A_744 = arith.constant 0 : index
    %get3A_745 = arith.constant 0 : index
    %get3A_746 = vector.load %arg8[%get3A_744, %get3A_745] : memref<1x384xf32, #tpu.memory_space<vmem>>, vector<1x384xf32>
    %get3A_747 = arith.constant 0 : index
    %get3A_748 = arith.constant 0 : index
    %get3A_749 = vector.load %arg9[%get3A_747, %get3A_748] : memref<128x384xbf16, #tpu.memory_space<vmem>>, vector<128x384xbf16>
    %get3A_750 = arith.constant 0 : index
    %get3A_751 = arith.constant 0 : index
    %get3A_752 = vector.load %arg10[%get3A_750, %get3A_751] : memref<128x128xbf16, #tpu.memory_space<vmem>>, vector<128x128xbf16>
    %get3A_753 = arith.constant 0 : index
    %get3A_754 = arith.constant 0 : index
    %get3A_755 = vector.load %arg11[%get3A_753, %get3A_754] : memref<1x128xf32, #tpu.memory_space<vmem>>, vector<1x128xf32>
    %broadcast_in_dim3A_756 = arith.constant 0.000000e+00 : f32
    %broadcast_in_dim3A_757 = vector.broadcast %broadcast_in_dim3A_756 : f32 to vector<8x128xf32>
    %get3A_758 = arith.constant 0 : index
    %get3A_759 = arith.constant 0 : index
    %get3A_760 = arith.constant 1 : index
    %get3A_761 = arith.constant 0 : index
    %get3A_762 = vector.load %arg1[%get3A_758, %get3A_759, %get3A_760, %get3A_761] : memref<8x1023x2x128xbf16, #tpu.memory_space<vmem>>, vector<8x512x1x128xbf16>
    %get3A_763 = vector.shape_cast %get3A_762 : vector<8x512x1x128xbf16> to vector<8x512x128xbf16>
    %reshape3A_764 = vector.shape_cast %get3A_763 : vector<8x512x128xbf16> to vector<4096x128xbf16>
    %dot_general3A_765 = arith.constant dense<0.000000e+00> : vector<4096x384xf32>
    %dot_general3A_766 = tpu.matmul %reshape3A_764, %get3A_743, %dot_general3A_765 {dimension_numbers = #tpu.dot_dimension_numbers<[1], [0], [0], [1], [0, 0, 1, 1], [], []>, transpose_lhs_hint = false} : vector<4096x128xbf16>, vector<128x384xbf16>, vector<4096x384xf32> -> vector<4096x384xf32>
    %add3A_767 = vector.broadcast %get3A_746 : vector<1x384xf32> to vector<4096x384xf32>
    %add3A_768 = arith.addf %dot_general3A_766, %add3A_767 : vector<4096x384xf32>
    %slice3A_769 = vector.extract_strided_slice %add3A_768 {offsets = [0, 0], sizes = [4096, 128], strides = [1, 1]} : vector<4096x384xf32> to vector<4096x128xf32>
    %mul3A_770 = arith.constant 5.000000e-01 : f32
    %mul3A_771 = vector.broadcast %mul3A_770 : f32 to vector<4096x128xf32>
    %mul3A_772 = arith.mulf %mul3A_771, %slice3A_769 : vector<4096x128xf32>
    %tanh3A_773 = math.tanh %mul3A_772 : vector<4096x128xf32>
    %mul3A_774 = arith.constant 5.000000e-01 : f32
    %mul3A_775 = vector.broadcast %mul3A_774 : f32 to vector<4096x128xf32>
    %mul3A_776 = arith.mulf %mul3A_775, %tanh3A_773 : vector<4096x128xf32>
    %add3A_777 = arith.constant 5.000000e-01 : f32
    %add3A_778 = vector.broadcast %add3A_777 : f32 to vector<4096x128xf32>
    %add3A_779 = arith.addf %mul3A_776, %add3A_778 : vector<4096x128xf32>
    %slice3A_780 = vector.extract_strided_slice %add3A_768 {offsets = [0, 256], sizes = [4096, 128], strides = [1, 1]} : vector<4096x384xf32> to vector<4096x128xf32>
    %tanh3A_781 = math.tanh %slice3A_780 : vector<4096x128xf32>
    %mul3A_782 = arith.mulf %add3A_779, %tanh3A_781 : vector<4096x128xf32>
    %slice3A_783 = vector.extract_strided_slice %add3A_768 {offsets = [0, 128], sizes = [4096, 128], strides = [1, 1]} : vector<4096x384xf32> to vector<4096x128xf32>
    %mul3A_784 = arith.constant 5.000000e-01 : f32
    %mul3A_785 = vector.broadcast %mul3A_784 : f32 to vector<4096x128xf32>
    %mul3A_786 = arith.mulf %mul3A_785, %slice3A_783 : vector<4096x128xf32>
    %tanh3A_787 = math.tanh %mul3A_786 : vector<4096x128xf32>
    %mul3A_788 = arith.constant 5.000000e-01 : f32
    %mul3A_789 = vector.broadcast %mul3A_788 : f32 to vector<4096x128xf32>
    %mul3A_790 = arith.mulf %mul3A_789, %tanh3A_787 : vector<4096x128xf32>
    %add3A_791 = arith.constant 5.000000e-01 : f32
    %add3A_792 = vector.broadcast %add3A_791 : f32 to vector<4096x128xf32>
    %add3A_793 = arith.addf %mul3A_790, %add3A_792 : vector<4096x128xf32>
    %tanh3A_794 = math.tanh %mul3A_782 : vector<4096x128xf32>
    %mul3A_795 = arith.mulf %add3A_793, %tanh3A_794 : vector<4096x128xf32>
    %reshape3A_796 = vector.shape_cast %mul3A_795 : vector<4096x128xf32> to vector<8x512x128xf32>
    %reduce_sum3A_797 = arith.constant dense<0.000000e+00> : vector<8x128xf32>
    %reduce_sum3A_798 = vector.multi_reduction <add>, %reshape3A_796, %reduce_sum3A_797 [1] : vector<8x512x128xf32> to vector<8x128xf32>
    %add3A_799 = arith.addf %broadcast_in_dim3A_757, %reduce_sum3A_798 : vector<8x128xf32>
    %get3A_800 = arith.constant 0 : index
    %get3A_801 = arith.constant 512 : index
    %get3A_802 = arith.constant 1 : index
    %get3A_803 = arith.constant 0 : index
    %get3A_804 = vector.load %arg1[%get3A_800, %get3A_801, %get3A_802, %get3A_803] : memref<8x1023x2x128xbf16, #tpu.memory_space<vmem>>, vector<8x256x1x128xbf16>
    %get3A_805 = vector.shape_cast %get3A_804 : vector<8x256x1x128xbf16> to vector<8x256x128xbf16>
    %reshape3A_806 = vector.shape_cast %get3A_805 : vector<8x256x128xbf16> to vector<2048x128xbf16>
    %dot_general3A_807 = arith.constant dense<0.000000e+00> : vector<2048x384xf32>
    %dot_general3A_808 = tpu.matmul %reshape3A_806, %get3A_743, %dot_general3A_807 {dimension_numbers = #tpu.dot_dimension_numbers<[1], [0], [0], [1], [0, 0, 1, 1], [], []>, transpose_lhs_hint = false} : vector<2048x128xbf16>, vector<128x384xbf16>, vector<2048x384xf32> -> vector<2048x384xf32>
    %add3A_809 = vector.broadcast %get3A_746 : vector<1x384xf32> to vector<2048x384xf32>
    %add3A_810 = arith.addf %dot_general3A_808, %add3A_809 : vector<2048x384xf32>
    %convert_element_type3A_811 = arith.truncf %mul3A_795 : vector<4096x128xf32> to vector<4096x128xbf16>
    %dot_general3A_812 = arith.constant dense<0.000000e+00> : vector<4096x128xf32>
    %dot_general3A_813 = tpu.matmul %convert_element_type3A_811, %get3A_752, %dot_general3A_812 {dimension_numbers = #tpu.dot_dimension_numbers<[1], [0], [0], [1], [0, 0, 1, 1], [], []>, transpose_lhs_hint = false} : vector<4096x128xbf16>, vector<128x128xbf16>, vector<4096x128xf32> -> vector<4096x128xf32>
    %add3A_814 = vector.broadcast %get3A_755 : vector<1x128xf32> to vector<4096x128xf32>
    %add3A_815 = arith.addf %dot_general3A_813, %add3A_814 : vector<4096x128xf32>
    %mul3A_816 = arith.constant 5.000000e-01 : f32
    %mul3A_817 = vector.broadcast %mul3A_816 : f32 to vector<4096x128xf32>
    %mul3A_818 = arith.mulf %mul3A_817, %add3A_815 : vector<4096x128xf32>
    %tanh3A_819 = math.tanh %mul3A_818 : vector<4096x128xf32>
    %mul3A_820 = arith.constant 5.000000e-01 : f32
    %mul3A_821 = vector.broadcast %mul3A_820 : f32 to vector<4096x128xf32>
    %mul3A_822 = arith.mulf %mul3A_821, %tanh3A_819 : vector<4096x128xf32>
    %add3A_823 = arith.constant 5.000000e-01 : f32
    %add3A_824 = vector.broadcast %add3A_823 : f32 to vector<4096x128xf32>
    %add3A_825 = arith.addf %mul3A_822, %add3A_824 : vector<4096x128xf32>
    %mul3A_826 = arith.mulf %add3A_825, %mul3A_782 : vector<4096x128xf32>
    %reshape3A_827 = vector.shape_cast %mul3A_795 : vector<4096x128xf32> to vector<8x2x256x128xf32>
    %reshape3A_828 = vector.shape_cast %mul3A_826 : vector<4096x128xf32> to vector<8x2x256x128xf32>
    %slice3A_829 = vector.extract_strided_slice %reshape3A_827 {offsets = [0, 0, 0, 0], sizes = [8, 1, 256, 128], strides = [1, 1, 1, 1]} : vector<8x2x256x128xf32> to vector<8x1x256x128xf32>
    %squeeze3A_830 = vector.shape_cast %slice3A_829 : vector<8x1x256x128xf32> to vector<8x256x128xf32>
    %slice3A_831 = vector.extract_strided_slice %reshape3A_827 {offsets = [0, 1, 0, 0], sizes = [8, 1, 256, 128], strides = [1, 1, 1, 1]} : vector<8x2x256x128xf32> to vector<8x1x256x128xf32>
    %squeeze3A_832 = vector.shape_cast %slice3A_831 : vector<8x1x256x128xf32> to vector<8x256x128xf32>
    %add3A_833 = arith.addf %squeeze3A_830, %squeeze3A_832 : vector<8x256x128xf32>
    %reshape3A_834 = vector.shape_cast %add3A_833 : vector<8x256x128xf32> to vector<2048x128xf32>
    %slice3A_835 = vector.extract_strided_slice %reshape3A_828 {offsets = [0, 0, 0, 0], sizes = [8, 1, 256, 128], strides = [1, 1, 1, 1]} : vector<8x2x256x128xf32> to vector<8x1x256x128xf32>
    %squeeze3A_836 = vector.shape_cast %slice3A_835 : vector<8x1x256x128xf32> to vector<8x256x128xf32>
    %slice3A_837 = vector.extract_strided_slice %reshape3A_828 {offsets = [0, 1, 0, 0], sizes = [8, 1, 256, 128], strides = [1, 1, 1, 1]} : vector<8x2x256x128xf32> to vector<8x1x256x128xf32>
    %squeeze3A_838 = vector.shape_cast %slice3A_837 : vector<8x1x256x128xf32> to vector<8x256x128xf32>
    %add3A_839 = arith.addf %squeeze3A_836, %squeeze3A_838 : vector<8x256x128xf32>
    %reshape3A_840 = vector.shape_cast %add3A_839 : vector<8x256x128xf32> to vector<2048x128xf32>
    %convert_element_type3A_841 = arith.truncf %reshape3A_834 : vector<2048x128xf32> to vector<2048x128xbf16>
    %dot_general3A_842 = arith.constant dense<0.000000e+00> : vector<2048x384xf32>
    %dot_general3A_843 = tpu.matmul %convert_element_type3A_841, %get3A_749, %dot_general3A_842 {dimension_numbers = #tpu.dot_dimension_numbers<[1], [0], [0], [1], [0, 0, 1, 1], [], []>, transpose_lhs_hint = false} : vector<2048x128xbf16>, vector<128x384xbf16>, vector<2048x384xf32> -> vector<2048x384xf32>
    %add3A_844 = arith.addf %add3A_810, %dot_general3A_843 : vector<2048x384xf32>
    %slice3A_845 = vector.extract_strided_slice %add3A_844 {offsets = [0, 0], sizes = [2048, 128], strides = [1, 1]} : vector<2048x384xf32> to vector<2048x128xf32>
    %mul3A_846 = arith.constant 5.000000e-01 : f32
    %mul3A_847 = vector.broadcast %mul3A_846 : f32 to vector<2048x128xf32>
    %mul3A_848 = arith.mulf %mul3A_847, %slice3A_845 : vector<2048x128xf32>
    %tanh3A_849 = math.tanh %mul3A_848 : vector<2048x128xf32>
    %mul3A_850 = arith.constant 5.000000e-01 : f32
    %mul3A_851 = vector.broadcast %mul3A_850 : f32 to vector<2048x128xf32>
    %mul3A_852 = arith.mulf %mul3A_851, %tanh3A_849 : vector<2048x128xf32>
    %add3A_853 = arith.constant 5.000000e-01 : f32
    %add3A_854 = vector.broadcast %add3A_853 : f32 to vector<2048x128xf32>
    %add3A_855 = arith.addf %mul3A_852, %add3A_854 : vector<2048x128xf32>
    %slice3A_856 = vector.extract_strided_slice %add3A_844 {offsets = [0, 256], sizes = [2048, 128], strides = [1, 1]} : vector<2048x384xf32> to vector<2048x128xf32>
    %tanh3A_857 = math.tanh %slice3A_856 : vector<2048x128xf32>
    %mul3A_858 = arith.mulf %add3A_855, %tanh3A_857 : vector<2048x128xf32>
    %add3A_859 = arith.addf %mul3A_858, %reshape3A_840 : vector<2048x128xf32>
    %slice3A_860 = vector.extract_strided_slice %add3A_844 {offsets = [0, 128], sizes = [2048, 128], strides = [1, 1]} : vector<2048x384xf32> to vector<2048x128xf32>
    %mul3A_861 = arith.constant 5.000000e-01 : f32
    %mul3A_862 = vector.broadcast %mul3A_861 : f32 to vector<2048x128xf32>
    %mul3A_863 = arith.mulf %mul3A_862, %slice3A_860 : vector<2048x128xf32>
    %tanh3A_864 = math.tanh %mul3A_863 : vector<2048x128xf32>
    %mul3A_865 = arith.constant 5.000000e-01 : f32
    %mul3A_866 = vector.broadcast %mul3A_865 : f32 to vector<2048x128xf32>
    %mul3A_867 = arith.mulf %mul3A_866, %tanh3A_864 : vector<2048x128xf32>
    %add3A_868 = arith.constant 5.000000e-01 : f32
    %add3A_869 = vector.broadcast %add3A_868 : f32 to vector<2048x128xf32>
    %add3A_870 = arith.addf %mul3A_867, %add3A_869 : vector<2048x128xf32>
    %tanh3A_871 = math.tanh %add3A_859 : vector<2048x128xf32>
    %mul3A_872 = arith.mulf %add3A_870, %tanh3A_871 : vector<2048x128xf32>
    %reshape3A_873 = vector.shape_cast %mul3A_872 : vector<2048x128xf32> to vector<8x256x128xf32>
    %reduce_sum3A_874 = arith.constant dense<0.000000e+00> : vector<8x128xf32>
    %reduce_sum3A_875 = vector.multi_reduction <add>, %reshape3A_873, %reduce_sum3A_874 [1] : vector<8x256x128xf32> to vector<8x128xf32>
    %add3A_876 = arith.addf %add3A_799, %reduce_sum3A_875 : vector<8x128xf32>
    %get3A_877 = arith.constant 0 : index
    %get3A_878 = arith.constant 768 : index
    %get3A_879 = arith.constant 1 : index
    %get3A_880 = arith.constant 0 : index
    %get3A_881 = vector.load %arg1[%get3A_877, %get3A_878, %get3A_879, %get3A_880] : memref<8x1023x2x128xbf16, #tpu.memory_space<vmem>>, vector<8x128x1x128xbf16>
    %get3A_882 = vector.shape_cast %get3A_881 : vector<8x128x1x128xbf16> to vector<8x128x128xbf16>
    %reshape3A_883 = vector.shape_cast %get3A_882 : vector<8x128x128xbf16> to vector<1024x128xbf16>
    %dot_general3A_884 = arith.constant dense<0.000000e+00> : vector<1024x384xf32>
    %dot_general3A_885 = tpu.matmul %reshape3A_883, %get3A_743, %dot_general3A_884 {dimension_numbers = #tpu.dot_dimension_numbers<[1], [0], [0], [1], [0, 0, 1, 1], [], []>, transpose_lhs_hint = false} : vector<1024x128xbf16>, vector<128x384xbf16>, vector<1024x384xf32> -> vector<1024x384xf32>
    %add3A_886 = vector.broadcast %get3A_746 : vector<1x384xf32> to vector<1024x384xf32>
    %add3A_887 = arith.addf %dot_general3A_885, %add3A_886 : vector<1024x384xf32>
    %convert_element_type3A_888 = arith.truncf %mul3A_872 : vector<2048x128xf32> to vector<2048x128xbf16>
    %dot_general3A_889 = arith.constant dense<0.000000e+00> : vector<2048x128xf32>
    %dot_general3A_890 = tpu.matmul %convert_element_type3A_888, %get3A_752, %dot_general3A_889 {dimension_numbers = #tpu.dot_dimension_numbers<[1], [0], [0], [1], [0, 0, 1, 1], [], []>, transpose_lhs_hint = false} : vector<2048x128xbf16>, vector<128x128xbf16>, vector<2048x128xf32> -> vector<2048x128xf32>
    %add3A_891 = vector.broadcast %get3A_755 : vector<1x128xf32> to vector<2048x128xf32>
    %add3A_892 = arith.addf %dot_general3A_890, %add3A_891 : vector<2048x128xf32>
    %mul3A_893 = arith.constant 5.000000e-01 : f32
    %mul3A_894 = vector.broadcast %mul3A_893 : f32 to vector<2048x128xf32>
    %mul3A_895 = arith.mulf %mul3A_894, %add3A_892 : vector<2048x128xf32>
    %tanh3A_896 = math.tanh %mul3A_895 : vector<2048x128xf32>
    %mul3A_897 = arith.constant 5.000000e-01 : f32
    %mul3A_898 = vector.broadcast %mul3A_897 : f32 to vector<2048x128xf32>
    %mul3A_899 = arith.mulf %mul3A_898, %tanh3A_896 : vector<2048x128xf32>
    %add3A_900 = arith.constant 5.000000e-01 : f32
    %add3A_901 = vector.broadcast %add3A_900 : f32 to vector<2048x128xf32>
    %add3A_902 = arith.addf %mul3A_899, %add3A_901 : vector<2048x128xf32>
    %mul3A_903 = arith.mulf %add3A_902, %add3A_859 : vector<2048x128xf32>
    %reshape3A_904 = vector.shape_cast %mul3A_872 : vector<2048x128xf32> to vector<8x2x128x128xf32>
    %reshape3A_905 = vector.shape_cast %mul3A_903 : vector<2048x128xf32> to vector<8x2x128x128xf32>
    %slice3A_906 = vector.extract_strided_slice %reshape3A_904 {offsets = [0, 0, 0, 0], sizes = [8, 1, 128, 128], strides = [1, 1, 1, 1]} : vector<8x2x128x128xf32> to vector<8x1x128x128xf32>
    %squeeze3A_907 = vector.shape_cast %slice3A_906 : vector<8x1x128x128xf32> to vector<8x128x128xf32>
    %slice3A_908 = vector.extract_strided_slice %reshape3A_904 {offsets = [0, 1, 0, 0], sizes = [8, 1, 128, 128], strides = [1, 1, 1, 1]} : vector<8x2x128x128xf32> to vector<8x1x128x128xf32>
    %squeeze3A_909 = vector.shape_cast %slice3A_908 : vector<8x1x128x128xf32> to vector<8x128x128xf32>
    %add3A_910 = arith.addf %squeeze3A_907, %squeeze3A_909 : vector<8x128x128xf32>
    %reshape3A_911 = vector.shape_cast %add3A_910 : vector<8x128x128xf32> to vector<1024x128xf32>
    %slice3A_912 = vector.extract_strided_slice %reshape3A_905 {offsets = [0, 0, 0, 0], sizes = [8, 1, 128, 128], strides = [1, 1, 1, 1]} : vector<8x2x128x128xf32> to vector<8x1x128x128xf32>
    %squeeze3A_913 = vector.shape_cast %slice3A_912 : vector<8x1x128x128xf32> to vector<8x128x128xf32>
    %slice3A_914 = vector.extract_strided_slice %reshape3A_905 {offsets = [0, 1, 0, 0], sizes = [8, 1, 128, 128], strides = [1, 1, 1, 1]} : vector<8x2x128x128xf32> to vector<8x1x128x128xf32>
    %squeeze3A_915 = vector.shape_cast %slice3A_914 : vector<8x1x128x128xf32> to vector<8x128x128xf32>
    %add3A_916 = arith.addf %squeeze3A_913, %squeeze3A_915 : vector<8x128x128xf32>
    %reshape3A_917 = vector.shape_cast %add3A_916 : vector<8x128x128xf32> to vector<1024x128xf32>
    %convert_element_type3A_918 = arith.truncf %reshape3A_911 : vector<1024x128xf32> to vector<1024x128xbf16>
    %dot_general3A_919 = arith.constant dense<0.000000e+00> : vector<1024x384xf32>
    %dot_general3A_920 = tpu.matmul %convert_element_type3A_918, %get3A_749, %dot_general3A_919 {dimension_numbers = #tpu.dot_dimension_numbers<[1], [0], [0], [1], [0, 0, 1, 1], [], []>, transpose_lhs_hint = false} : vector<1024x128xbf16>, vector<128x384xbf16>, vector<1024x384xf32> -> vector<1024x384xf32>
    %add3A_921 = arith.addf %add3A_887, %dot_general3A_920 : vector<1024x384xf32>
    %slice3A_922 = vector.extract_strided_slice %add3A_921 {offsets = [0, 0], sizes = [1024, 128], strides = [1, 1]} : vector<1024x384xf32> to vector<1024x128xf32>
    %mul3A_923 = arith.constant 5.000000e-01 : f32
    %mul3A_924 = vector.broadcast %mul3A_923 : f32 to vector<1024x128xf32>
    %mul3A_925 = arith.mulf %mul3A_924, %slice3A_922 : vector<1024x128xf32>
    %tanh3A_926 = math.tanh %mul3A_925 : vector<1024x128xf32>
    %mul3A_927 = arith.constant 5.000000e-01 : f32
    %mul3A_928 = vector.broadcast %mul3A_927 : f32 to vector<1024x128xf32>
    %mul3A_929 = arith.mulf %mul3A_928, %tanh3A_926 : vector<1024x128xf32>
    %add3A_930 = arith.constant 5.000000e-01 : f32
    %add3A_931 = vector.broadcast %add3A_930 : f32 to vector<1024x128xf32>
    %add3A_932 = arith.addf %mul3A_929, %add3A_931 : vector<1024x128xf32>
    %slice3A_933 = vector.extract_strided_slice %add3A_921 {offsets = [0, 256], sizes = [1024, 128], strides = [1, 1]} : vector<1024x384xf32> to vector<1024x128xf32>
    %tanh3A_934 = math.tanh %slice3A_933 : vector<1024x128xf32>
    %mul3A_935 = arith.mulf %add3A_932, %tanh3A_934 : vector<1024x128xf32>
    %add3A_936 = arith.addf %mul3A_935, %reshape3A_917 : vector<1024x128xf32>
    %slice3A_937 = vector.extract_strided_slice %add3A_921 {offsets = [0, 128], sizes = [1024, 128], strides = [1, 1]} : vector<1024x384xf32> to vector<1024x128xf32>
    %mul3A_938 = arith.constant 5.000000e-01 : f32
    %mul3A_939 = vector.broadcast %mul3A_938 : f32 to vector<1024x128xf32>
    %mul3A_940 = arith.mulf %mul3A_939, %slice3A_937 : vector<1024x128xf32>
    %tanh3A_941 = math.tanh %mul3A_940 : vector<1024x128xf32>
    %mul3A_942 = arith.constant 5.000000e-01 : f32
    %mul3A_943 = vector.broadcast %mul3A_942 : f32 to vector<1024x128xf32>
    %mul3A_944 = arith.mulf %mul3A_943, %tanh3A_941 : vector<1024x128xf32>
    %add3A_945 = arith.constant 5.000000e-01 : f32
    %add3A_946 = vector.broadcast %add3A_945 : f32 to vector<1024x128xf32>
    %add3A_947 = arith.addf %mul3A_944, %add3A_946 : vector<1024x128xf32>
    %tanh3A_948 = math.tanh %add3A_936 : vector<1024x128xf32>
    %mul3A_949 = arith.mulf %add3A_947, %tanh3A_948 : vector<1024x128xf32>
    %reshape3A_950 = vector.shape_cast %mul3A_949 : vector<1024x128xf32> to vector<8x128x128xf32>
    %reduce_sum3A_951 = arith.constant dense<0.000000e+00> : vector<8x128xf32>
    %reduce_sum3A_952 = vector.multi_reduction <add>, %reshape3A_950, %reduce_sum3A_951 [1] : vector<8x128x128xf32> to vector<8x128xf32>
    %add3A_953 = arith.addf %add3A_876, %reduce_sum3A_952 : vector<8x128xf32>
    %get3A_954 = arith.constant 0 : index
    %get3A_955 = arith.constant 896 : index
    %get3A_956 = arith.constant 1 : index
    %get3A_957 = arith.constant 0 : index
    %get3A_958 = vector.load %arg1[%get3A_954, %get3A_955, %get3A_956, %get3A_957] : memref<8x1023x2x128xbf16, #tpu.memory_space<vmem>>, vector<8x64x1x128xbf16>
    %get3A_959 = vector.shape_cast %get3A_958 : vector<8x64x1x128xbf16> to vector<8x64x128xbf16>
    %reshape3A_960 = vector.shape_cast %get3A_959 : vector<8x64x128xbf16> to vector<512x128xbf16>
    %dot_general3A_961 = arith.constant dense<0.000000e+00> : vector<512x384xf32>
    %dot_general3A_962 = tpu.matmul %reshape3A_960, %get3A_743, %dot_general3A_961 {dimension_numbers = #tpu.dot_dimension_numbers<[1], [0], [0], [1], [0, 0, 1, 1], [], []>, transpose_lhs_hint = false} : vector<512x128xbf16>, vector<128x384xbf16>, vector<512x384xf32> -> vector<512x384xf32>
    %add3A_963 = vector.broadcast %get3A_746 : vector<1x384xf32> to vector<512x384xf32>
    %add3A_964 = arith.addf %dot_general3A_962, %add3A_963 : vector<512x384xf32>
    %convert_element_type3A_965 = arith.truncf %mul3A_949 : vector<1024x128xf32> to vector<1024x128xbf16>
    %dot_general3A_966 = arith.constant dense<0.000000e+00> : vector<1024x128xf32>
    %dot_general3A_967 = tpu.matmul %convert_element_type3A_965, %get3A_752, %dot_general3A_966 {dimension_numbers = #tpu.dot_dimension_numbers<[1], [0], [0], [1], [0, 0, 1, 1], [], []>, transpose_lhs_hint = false} : vector<1024x128xbf16>, vector<128x128xbf16>, vector<1024x128xf32> -> vector<1024x128xf32>
    %add3A_968 = vector.broadcast %get3A_755 : vector<1x128xf32> to vector<1024x128xf32>
    %add3A_969 = arith.addf %dot_general3A_967, %add3A_968 : vector<1024x128xf32>
    %mul3A_970 = arith.constant 5.000000e-01 : f32
    %mul3A_971 = vector.broadcast %mul3A_970 : f32 to vector<1024x128xf32>
    %mul3A_972 = arith.mulf %mul3A_971, %add3A_969 : vector<1024x128xf32>
    %tanh3A_973 = math.tanh %mul3A_972 : vector<1024x128xf32>
    %mul3A_974 = arith.constant 5.000000e-01 : f32
    %mul3A_975 = vector.broadcast %mul3A_974 : f32 to vector<1024x128xf32>
    %mul3A_976 = arith.mulf %mul3A_975, %tanh3A_973 : vector<1024x128xf32>
    %add3A_977 = arith.constant 5.000000e-01 : f32
    %add3A_978 = vector.broadcast %add3A_977 : f32 to vector<1024x128xf32>
    %add3A_979 = arith.addf %mul3A_976, %add3A_978 : vector<1024x128xf32>
    %mul3A_980 = arith.mulf %add3A_979, %add3A_936 : vector<1024x128xf32>
    %reshape3A_981 = vector.shape_cast %mul3A_949 : vector<1024x128xf32> to vector<8x2x64x128xf32>
    %reshape3A_982 = vector.shape_cast %mul3A_980 : vector<1024x128xf32> to vector<8x2x64x128xf32>
    %slice3A_983 = vector.extract_strided_slice %reshape3A_981 {offsets = [0, 0, 0, 0], sizes = [8, 1, 64, 128], strides = [1, 1, 1, 1]} : vector<8x2x64x128xf32> to vector<8x1x64x128xf32>
    %squeeze3A_984 = vector.shape_cast %slice3A_983 : vector<8x1x64x128xf32> to vector<8x64x128xf32>
    %slice3A_985 = vector.extract_strided_slice %reshape3A_981 {offsets = [0, 1, 0, 0], sizes = [8, 1, 64, 128], strides = [1, 1, 1, 1]} : vector<8x2x64x128xf32> to vector<8x1x64x128xf32>
    %squeeze3A_986 = vector.shape_cast %slice3A_985 : vector<8x1x64x128xf32> to vector<8x64x128xf32>
    %add3A_987 = arith.addf %squeeze3A_984, %squeeze3A_986 : vector<8x64x128xf32>
    %reshape3A_988 = vector.shape_cast %add3A_987 : vector<8x64x128xf32> to vector<512x128xf32>
    %slice3A_989 = vector.extract_strided_slice %reshape3A_982 {offsets = [0, 0, 0, 0], sizes = [8, 1, 64, 128], strides = [1, 1, 1, 1]} : vector<8x2x64x128xf32> to vector<8x1x64x128xf32>
    %squeeze3A_990 = vector.shape_cast %slice3A_989 : vector<8x1x64x128xf32> to vector<8x64x128xf32>
    %slice3A_991 = vector.extract_strided_slice %reshape3A_982 {offsets = [0, 1, 0, 0], sizes = [8, 1, 64, 128], strides = [1, 1, 1, 1]} : vector<8x2x64x128xf32> to vector<8x1x64x128xf32>
    %squeeze3A_992 = vector.shape_cast %slice3A_991 : vector<8x1x64x128xf32> to vector<8x64x128xf32>
    %add3A_993 = arith.addf %squeeze3A_990, %squeeze3A_992 : vector<8x64x128xf32>
    %reshape3A_994 = vector.shape_cast %add3A_993 : vector<8x64x128xf32> to vector<512x128xf32>
    %convert_element_type3A_995 = arith.truncf %reshape3A_988 : vector<512x128xf32> to vector<512x128xbf16>
    %dot_general3A_996 = arith.constant dense<0.000000e+00> : vector<512x384xf32>
    %dot_general3A_997 = tpu.matmul %convert_element_type3A_995, %get3A_749, %dot_general3A_996 {dimension_numbers = #tpu.dot_dimension_numbers<[1], [0], [0], [1], [0, 0, 1, 1], [], []>, transpose_lhs_hint = false} : vector<512x128xbf16>, vector<128x384xbf16>, vector<512x384xf32> -> vector<512x384xf32>
    %add3A_998 = arith.addf %add3A_964, %dot_general3A_997 : vector<512x384xf32>
    %slice3A_999 = vector.extract_strided_slice %add3A_998 {offsets = [0, 0], sizes = [512, 128], strides = [1, 1]} : vector<512x384xf32> to vector<512x128xf32>
    %mul3A_1000 = arith.constant 5.000000e-01 : f32
    %mul3A_1001 = vector.broadcast %mul3A_1000 : f32 to vector<512x128xf32>
    %mul3A_1002 = arith.mulf %mul3A_1001, %slice3A_999 : vector<512x128xf32>
    %tanh3A_1003 = math.tanh %mul3A_1002 : vector<512x128xf32>
    %mul3A_1004 = arith.constant 5.000000e-01 : f32
    %mul3A_1005 = vector.broadcast %mul3A_1004 : f32 to vector<512x128xf32>
    %mul3A_1006 = arith.mulf %mul3A_1005, %tanh3A_1003 : vector<512x128xf32>
    %add3A_1007 = arith.constant 5.000000e-01 : f32
    %add3A_1008 = vector.broadcast %add3A_1007 : f32 to vector<512x128xf32>
    %add3A_1009 = arith.addf %mul3A_1006, %add3A_1008 : vector<512x128xf32>
    %slice3A_1010 = vector.extract_strided_slice %add3A_998 {offsets = [0, 256], sizes = [512, 128], strides = [1, 1]} : vector<512x384xf32> to vector<512x128xf32>
    %tanh3A_1011 = math.tanh %slice3A_1010 : vector<512x128xf32>
    %mul3A_1012 = arith.mulf %add3A_1009, %tanh3A_1011 : vector<512x128xf32>
    %add3A_1013 = arith.addf %mul3A_1012, %reshape3A_994 : vector<512x128xf32>
    %slice3A_1014 = vector.extract_strided_slice %add3A_998 {offsets = [0, 128], sizes = [512, 128], strides = [1, 1]} : vector<512x384xf32> to vector<512x128xf32>
    %mul3A_1015 = arith.constant 5.000000e-01 : f32
    %mul3A_1016 = vector.broadcast %mul3A_1015 : f32 to vector<512x128xf32>
    %mul3A_1017 = arith.mulf %mul3A_1016, %slice3A_1014 : vector<512x128xf32>
    %tanh3A_1018 = math.tanh %mul3A_1017 : vector<512x128xf32>
    %mul3A_1019 = arith.constant 5.000000e-01 : f32
    %mul3A_1020 = vector.broadcast %mul3A_1019 : f32 to vector<512x128xf32>
    %mul3A_1021 = arith.mulf %mul3A_1020, %tanh3A_1018 : vector<512x128xf32>
    %add3A_1022 = arith.constant 5.000000e-01 : f32
    %add3A_1023 = vector.broadcast %add3A_1022 : f32 to vector<512x128xf32>
    %add3A_1024 = arith.addf %mul3A_1021, %add3A_1023 : vector<512x128xf32>
    %tanh3A_1025 = math.tanh %add3A_1013 : vector<512x128xf32>
    %mul3A_1026 = arith.mulf %add3A_1024, %tanh3A_1025 : vector<512x128xf32>
    %reshape3A_1027 = vector.shape_cast %mul3A_1026 : vector<512x128xf32> to vector<8x64x128xf32>
    %reduce_sum3A_1028 = arith.constant dense<0.000000e+00> : vector<8x128xf32>
    %reduce_sum3A_1029 = vector.multi_reduction <add>, %reshape3A_1027, %reduce_sum3A_1028 [1] : vector<8x64x128xf32> to vector<8x128xf32>
    %add3A_1030 = arith.addf %add3A_953, %reduce_sum3A_1029 : vector<8x128xf32>
    %get3A_1031 = arith.constant 0 : index
    %get3A_1032 = arith.constant 960 : index
    %get3A_1033 = arith.constant 1 : index
    %get3A_1034 = arith.constant 0 : index
    %get3A_1035 = vector.load %arg1[%get3A_1031, %get3A_1032, %get3A_1033, %get3A_1034] : memref<8x1023x2x128xbf16, #tpu.memory_space<vmem>>, vector<8x32x1x128xbf16>
    %get3A_1036 = vector.shape_cast %get3A_1035 : vector<8x32x1x128xbf16> to vector<8x32x128xbf16>
    %reshape3A_1037 = vector.shape_cast %get3A_1036 : vector<8x32x128xbf16> to vector<256x128xbf16>
    %dot_general3A_1038 = arith.constant dense<0.000000e+00> : vector<256x384xf32>
    %dot_general3A_1039 = tpu.matmul %reshape3A_1037, %get3A_743, %dot_general3A_1038 {dimension_numbers = #tpu.dot_dimension_numbers<[1], [0], [0], [1], [0, 0, 1, 1], [], []>, transpose_lhs_hint = false} : vector<256x128xbf16>, vector<128x384xbf16>, vector<256x384xf32> -> vector<256x384xf32>
    %add3A_1040 = vector.broadcast %get3A_746 : vector<1x384xf32> to vector<256x384xf32>
    %add3A_1041 = arith.addf %dot_general3A_1039, %add3A_1040 : vector<256x384xf32>
    %convert_element_type3A_1042 = arith.truncf %mul3A_1026 : vector<512x128xf32> to vector<512x128xbf16>
    %dot_general3A_1043 = arith.constant dense<0.000000e+00> : vector<512x128xf32>
    %dot_general3A_1044 = tpu.matmul %convert_element_type3A_1042, %get3A_752, %dot_general3A_1043 {dimension_numbers = #tpu.dot_dimension_numbers<[1], [0], [0], [1], [0, 0, 1, 1], [], []>, transpose_lhs_hint = false} : vector<512x128xbf16>, vector<128x128xbf16>, vector<512x128xf32> -> vector<512x128xf32>
    %add3A_1045 = vector.broadcast %get3A_755 : vector<1x128xf32> to vector<512x128xf32>
    %add3A_1046 = arith.addf %dot_general3A_1044, %add3A_1045 : vector<512x128xf32>
    %mul3A_1047 = arith.constant 5.000000e-01 : f32
    %mul3A_1048 = vector.broadcast %mul3A_1047 : f32 to vector<512x128xf32>
    %mul3A_1049 = arith.mulf %mul3A_1048, %add3A_1046 : vector<512x128xf32>
    %tanh3A_1050 = math.tanh %mul3A_1049 : vector<512x128xf32>
    %mul3A_1051 = arith.constant 5.000000e-01 : f32
    %mul3A_1052 = vector.broadcast %mul3A_1051 : f32 to vector<512x128xf32>
    %mul3A_1053 = arith.mulf %mul3A_1052, %tanh3A_1050 : vector<512x128xf32>
    %add3A_1054 = arith.constant 5.000000e-01 : f32
    %add3A_1055 = vector.broadcast %add3A_1054 : f32 to vector<512x128xf32>
    %add3A_1056 = arith.addf %mul3A_1053, %add3A_1055 : vector<512x128xf32>
    %mul3A_1057 = arith.mulf %add3A_1056, %add3A_1013 : vector<512x128xf32>
    %reshape3A_1058 = vector.shape_cast %mul3A_1026 : vector<512x128xf32> to vector<8x2x32x128xf32>
    %reshape3A_1059 = vector.shape_cast %mul3A_1057 : vector<512x128xf32> to vector<8x2x32x128xf32>
    %slice3A_1060 = vector.extract_strided_slice %reshape3A_1058 {offsets = [0, 0, 0, 0], sizes = [8, 1, 32, 128], strides = [1, 1, 1, 1]} : vector<8x2x32x128xf32> to vector<8x1x32x128xf32>
    %squeeze3A_1061 = vector.shape_cast %slice3A_1060 : vector<8x1x32x128xf32> to vector<8x32x128xf32>
    %slice3A_1062 = vector.extract_strided_slice %reshape3A_1058 {offsets = [0, 1, 0, 0], sizes = [8, 1, 32, 128], strides = [1, 1, 1, 1]} : vector<8x2x32x128xf32> to vector<8x1x32x128xf32>
    %squeeze3A_1063 = vector.shape_cast %slice3A_1062 : vector<8x1x32x128xf32> to vector<8x32x128xf32>
    %add3A_1064 = arith.addf %squeeze3A_1061, %squeeze3A_1063 : vector<8x32x128xf32>
    %reshape3A_1065 = vector.shape_cast %add3A_1064 : vector<8x32x128xf32> to vector<256x128xf32>
    %slice3A_1066 = vector.extract_strided_slice %reshape3A_1059 {offsets = [0, 0, 0, 0], sizes = [8, 1, 32, 128], strides = [1, 1, 1, 1]} : vector<8x2x32x128xf32> to vector<8x1x32x128xf32>
    %squeeze3A_1067 = vector.shape_cast %slice3A_1066 : vector<8x1x32x128xf32> to vector<8x32x128xf32>
    %slice3A_1068 = vector.extract_strided_slice %reshape3A_1059 {offsets = [0, 1, 0, 0], sizes = [8, 1, 32, 128], strides = [1, 1, 1, 1]} : vector<8x2x32x128xf32> to vector<8x1x32x128xf32>
    %squeeze3A_1069 = vector.shape_cast %slice3A_1068 : vector<8x1x32x128xf32> to vector<8x32x128xf32>
    %add3A_1070 = arith.addf %squeeze3A_1067, %squeeze3A_1069 : vector<8x32x128xf32>
    %reshape3A_1071 = vector.shape_cast %add3A_1070 : vector<8x32x128xf32> to vector<256x128xf32>
    %convert_element_type3A_1072 = arith.truncf %reshape3A_1065 : vector<256x128xf32> to vector<256x128xbf16>
    %dot_general3A_1073 = arith.constant dense<0.000000e+00> : vector<256x384xf32>
    %dot_general3A_1074 = tpu.matmul %convert_element_type3A_1072, %get3A_749, %dot_general3A_1073 {dimension_numbers = #tpu.dot_dimension_numbers<[1], [0], [0], [1], [0, 0, 1, 1], [], []>, transpose_lhs_hint = false} : vector<256x128xbf16>, vector<128x384xbf16>, vector<256x384xf32> -> vector<256x384xf32>
    %add3A_1075 = arith.addf %add3A_1041, %dot_general3A_1074 : vector<256x384xf32>
    %slice3A_1076 = vector.extract_strided_slice %add3A_1075 {offsets = [0, 0], sizes = [256, 128], strides = [1, 1]} : vector<256x384xf32> to vector<256x128xf32>
    %mul3A_1077 = arith.constant 5.000000e-01 : f32
    %mul3A_1078 = vector.broadcast %mul3A_1077 : f32 to vector<256x128xf32>
    %mul3A_1079 = arith.mulf %mul3A_1078, %slice3A_1076 : vector<256x128xf32>
    %tanh3A_1080 = math.tanh %mul3A_1079 : vector<256x128xf32>
    %mul3A_1081 = arith.constant 5.000000e-01 : f32
    %mul3A_1082 = vector.broadcast %mul3A_1081 : f32 to vector<256x128xf32>
    %mul3A_1083 = arith.mulf %mul3A_1082, %tanh3A_1080 : vector<256x128xf32>
    %add3A_1084 = arith.constant 5.000000e-01 : f32
    %add3A_1085 = vector.broadcast %add3A_1084 : f32 to vector<256x128xf32>
    %add3A_1086 = arith.addf %mul3A_1083, %add3A_1085 : vector<256x128xf32>
    %slice3A_1087 = vector.extract_strided_slice %add3A_1075 {offsets = [0, 256], sizes = [256, 128], strides = [1, 1]} : vector<256x384xf32> to vector<256x128xf32>
    %tanh3A_1088 = math.tanh %slice3A_1087 : vector<256x128xf32>
    %mul3A_1089 = arith.mulf %add3A_1086, %tanh3A_1088 : vector<256x128xf32>
    %add3A_1090 = arith.addf %mul3A_1089, %reshape3A_1071 : vector<256x128xf32>
    %slice3A_1091 = vector.extract_strided_slice %add3A_1075 {offsets = [0, 128], sizes = [256, 128], strides = [1, 1]} : vector<256x384xf32> to vector<256x128xf32>
    %mul3A_1092 = arith.constant 5.000000e-01 : f32
    %mul3A_1093 = vector.broadcast %mul3A_1092 : f32 to vector<256x128xf32>
    %mul3A_1094 = arith.mulf %mul3A_1093, %slice3A_1091 : vector<256x128xf32>
    %tanh3A_1095 = math.tanh %mul3A_1094 : vector<256x128xf32>
    %mul3A_1096 = arith.constant 5.000000e-01 : f32
    %mul3A_1097 = vector.broadcast %mul3A_1096 : f32 to vector<256x128xf32>
    %mul3A_1098 = arith.mulf %mul3A_1097, %tanh3A_1095 : vector<256x128xf32>
    %add3A_1099 = arith.constant 5.000000e-01 : f32
    %add3A_1100 = vector.broadcast %add3A_1099 : f32 to vector<256x128xf32>
    %add3A_1101 = arith.addf %mul3A_1098, %add3A_1100 : vector<256x128xf32>
    %tanh3A_1102 = math.tanh %add3A_1090 : vector<256x128xf32>
    %mul3A_1103 = arith.mulf %add3A_1101, %tanh3A_1102 : vector<256x128xf32>
    %reshape3A_1104 = vector.shape_cast %mul3A_1103 : vector<256x128xf32> to vector<8x32x128xf32>
    %reduce_sum3A_1105 = arith.constant dense<0.000000e+00> : vector<8x128xf32>
    %reduce_sum3A_1106 = vector.multi_reduction <add>, %reshape3A_1104, %reduce_sum3A_1105 [1] : vector<8x32x128xf32> to vector<8x128xf32>
    %add3A_1107 = arith.addf %add3A_1030, %reduce_sum3A_1106 : vector<8x128xf32>
    %get3A_1108 = arith.constant 0 : index
    %get3A_1109 = arith.constant 992 : index
    %get3A_1110 = arith.constant 1 : index
    %get3A_1111 = arith.constant 0 : index
    %get3A_1112 = vector.load %arg1[%get3A_1108, %get3A_1109, %get3A_1110, %get3A_1111] : memref<8x1023x2x128xbf16, #tpu.memory_space<vmem>>, vector<8x16x1x128xbf16>
    %get3A_1113 = vector.shape_cast %get3A_1112 : vector<8x16x1x128xbf16> to vector<8x16x128xbf16>
    %reshape3A_1114 = vector.shape_cast %get3A_1113 : vector<8x16x128xbf16> to vector<128x128xbf16>
    %dot_general3A_1115 = arith.constant dense<0.000000e+00> : vector<128x384xf32>
    %dot_general3A_1116 = tpu.matmul %reshape3A_1114, %get3A_743, %dot_general3A_1115 {dimension_numbers = #tpu.dot_dimension_numbers<[1], [0], [0], [1], [0, 0, 1, 1], [], []>, transpose_lhs_hint = false} : vector<128x128xbf16>, vector<128x384xbf16>, vector<128x384xf32> -> vector<128x384xf32>
    %add3A_1117 = vector.broadcast %get3A_746 : vector<1x384xf32> to vector<128x384xf32>
    %add3A_1118 = arith.addf %dot_general3A_1116, %add3A_1117 : vector<128x384xf32>
    %convert_element_type3A_1119 = arith.truncf %mul3A_1103 : vector<256x128xf32> to vector<256x128xbf16>
    %dot_general3A_1120 = arith.constant dense<0.000000e+00> : vector<256x128xf32>
    %dot_general3A_1121 = tpu.matmul %convert_element_type3A_1119, %get3A_752, %dot_general3A_1120 {dimension_numbers = #tpu.dot_dimension_numbers<[1], [0], [0], [1], [0, 0, 1, 1], [], []>, transpose_lhs_hint = false} : vector<256x128xbf16>, vector<128x128xbf16>, vector<256x128xf32> -> vector<256x128xf32>
    %add3A_1122 = vector.broadcast %get3A_755 : vector<1x128xf32> to vector<256x128xf32>
    %add3A_1123 = arith.addf %dot_general3A_1121, %add3A_1122 : vector<256x128xf32>
    %mul3A_1124 = arith.constant 5.000000e-01 : f32
    %mul3A_1125 = vector.broadcast %mul3A_1124 : f32 to vector<256x128xf32>
    %mul3A_1126 = arith.mulf %mul3A_1125, %add3A_1123 : vector<256x128xf32>
    %tanh3A_1127 = math.tanh %mul3A_1126 : vector<256x128xf32>
    %mul3A_1128 = arith.constant 5.000000e-01 : f32
    %mul3A_1129 = vector.broadcast %mul3A_1128 : f32 to vector<256x128xf32>
    %mul3A_1130 = arith.mulf %mul3A_1129, %tanh3A_1127 : vector<256x128xf32>
    %add3A_1131 = arith.constant 5.000000e-01 : f32
    %add3A_1132 = vector.broadcast %add3A_1131 : f32 to vector<256x128xf32>
    %add3A_1133 = arith.addf %mul3A_1130, %add3A_1132 : vector<256x128xf32>
    %mul3A_1134 = arith.mulf %add3A_1133, %add3A_1090 : vector<256x128xf32>
    %reshape3A_1135 = vector.shape_cast %mul3A_1103 : vector<256x128xf32> to vector<8x2x16x128xf32>
    %reshape3A_1136 = vector.shape_cast %mul3A_1134 : vector<256x128xf32> to vector<8x2x16x128xf32>
    %slice3A_1137 = vector.extract_strided_slice %reshape3A_1135 {offsets = [0, 0, 0, 0], sizes = [8, 1, 16, 128], strides = [1, 1, 1, 1]} : vector<8x2x16x128xf32> to vector<8x1x16x128xf32>
    %squeeze3A_1138 = vector.shape_cast %slice3A_1137 : vector<8x1x16x128xf32> to vector<8x16x128xf32>
    %slice3A_1139 = vector.extract_strided_slice %reshape3A_1135 {offsets = [0, 1, 0, 0], sizes = [8, 1, 16, 128], strides = [1, 1, 1, 1]} : vector<8x2x16x128xf32> to vector<8x1x16x128xf32>
    %squeeze3A_1140 = vector.shape_cast %slice3A_1139 : vector<8x1x16x128xf32> to vector<8x16x128xf32>
    %add3A_1141 = arith.addf %squeeze3A_1138, %squeeze3A_1140 : vector<8x16x128xf32>
    %reshape3A_1142 = vector.shape_cast %add3A_1141 : vector<8x16x128xf32> to vector<128x128xf32>
    %slice3A_1143 = vector.extract_strided_slice %reshape3A_1136 {offsets = [0, 0, 0, 0], sizes = [8, 1, 16, 128], strides = [1, 1, 1, 1]} : vector<8x2x16x128xf32> to vector<8x1x16x128xf32>
    %squeeze3A_1144 = vector.shape_cast %slice3A_1143 : vector<8x1x16x128xf32> to vector<8x16x128xf32>
    %slice3A_1145 = vector.extract_strided_slice %reshape3A_1136 {offsets = [0, 1, 0, 0], sizes = [8, 1, 16, 128], strides = [1, 1, 1, 1]} : vector<8x2x16x128xf32> to vector<8x1x16x128xf32>
    %squeeze3A_1146 = vector.shape_cast %slice3A_1145 : vector<8x1x16x128xf32> to vector<8x16x128xf32>
    %add3A_1147 = arith.addf %squeeze3A_1144, %squeeze3A_1146 : vector<8x16x128xf32>
    %reshape3A_1148 = vector.shape_cast %add3A_1147 : vector<8x16x128xf32> to vector<128x128xf32>
    %convert_element_type3A_1149 = arith.truncf %reshape3A_1142 : vector<128x128xf32> to vector<128x128xbf16>
    %dot_general3A_1150 = arith.constant dense<0.000000e+00> : vector<128x384xf32>
    %dot_general3A_1151 = tpu.matmul %convert_element_type3A_1149, %get3A_749, %dot_general3A_1150 {dimension_numbers = #tpu.dot_dimension_numbers<[1], [0], [0], [1], [0, 0, 1, 1], [], []>, transpose_lhs_hint = false} : vector<128x128xbf16>, vector<128x384xbf16>, vector<128x384xf32> -> vector<128x384xf32>
    %add3A_1152 = arith.addf %add3A_1118, %dot_general3A_1151 : vector<128x384xf32>
    %slice3A_1153 = vector.extract_strided_slice %add3A_1152 {offsets = [0, 0], sizes = [128, 128], strides = [1, 1]} : vector<128x384xf32> to vector<128x128xf32>
    %mul3A_1154 = arith.constant 5.000000e-01 : f32
    %mul3A_1155 = vector.broadcast %mul3A_1154 : f32 to vector<128x128xf32>
    %mul3A_1156 = arith.mulf %mul3A_1155, %slice3A_1153 : vector<128x128xf32>
    %tanh3A_1157 = math.tanh %mul3A_1156 : vector<128x128xf32>
    %mul3A_1158 = arith.constant 5.000000e-01 : f32
    %mul3A_1159 = vector.broadcast %mul3A_1158 : f32 to vector<128x128xf32>
    %mul3A_1160 = arith.mulf %mul3A_1159, %tanh3A_1157 : vector<128x128xf32>
    %add3A_1161 = arith.constant 5.000000e-01 : f32
    %add3A_1162 = vector.broadcast %add3A_1161 : f32 to vector<128x128xf32>
    %add3A_1163 = arith.addf %mul3A_1160, %add3A_1162 : vector<128x128xf32>
    %slice3A_1164 = vector.extract_strided_slice %add3A_1152 {offsets = [0, 256], sizes = [128, 128], strides = [1, 1]} : vector<128x384xf32> to vector<128x128xf32>
    %tanh3A_1165 = math.tanh %slice3A_1164 : vector<128x128xf32>
    %mul3A_1166 = arith.mulf %add3A_1163, %tanh3A_1165 : vector<128x128xf32>
    %add3A_1167 = arith.addf %mul3A_1166, %reshape3A_1148 : vector<128x128xf32>
    %slice3A_1168 = vector.extract_strided_slice %add3A_1152 {offsets = [0, 128], sizes = [128, 128], strides = [1, 1]} : vector<128x384xf32> to vector<128x128xf32>
    %mul3A_1169 = arith.constant 5.000000e-01 : f32
    %mul3A_1170 = vector.broadcast %mul3A_1169 : f32 to vector<128x128xf32>
    %mul3A_1171 = arith.mulf %mul3A_1170, %slice3A_1168 : vector<128x128xf32>
    %tanh3A_1172 = math.tanh %mul3A_1171 : vector<128x128xf32>
    %mul3A_1173 = arith.constant 5.000000e-01 : f32
    %mul3A_1174 = vector.broadcast %mul3A_1173 : f32 to vector<128x128xf32>
    %mul3A_1175 = arith.mulf %mul3A_1174, %tanh3A_1172 : vector<128x128xf32>
    %add3A_1176 = arith.constant 5.000000e-01 : f32
    %add3A_1177 = vector.broadcast %add3A_1176 : f32 to vector<128x128xf32>
    %add3A_1178 = arith.addf %mul3A_1175, %add3A_1177 : vector<128x128xf32>
    %tanh3A_1179 = math.tanh %add3A_1167 : vector<128x128xf32>
    %mul3A_1180 = arith.mulf %add3A_1178, %tanh3A_1179 : vector<128x128xf32>
    %reshape3A_1181 = vector.shape_cast %mul3A_1180 : vector<128x128xf32> to vector<8x16x128xf32>
    %reduce_sum3A_1182 = arith.constant dense<0.000000e+00> : vector<8x128xf32>
    %reduce_sum3A_1183 = vector.multi_reduction <add>, %reshape3A_1181, %reduce_sum3A_1182 [1] : vector<8x16x128xf32> to vector<8x128xf32>
    %add3A_1184 = arith.addf %add3A_1107, %reduce_sum3A_1183 : vector<8x128xf32>
    %get3A_1185 = arith.constant 0 : index
    %get3A_1186 = arith.constant 1008 : index
    %get3A_1187 = arith.constant 1 : index
    %get3A_1188 = arith.constant 0 : index
    %get3A_1189 = vector.load %arg1[%get3A_1185, %get3A_1186, %get3A_1187, %get3A_1188] : memref<8x1023x2x128xbf16, #tpu.memory_space<vmem>>, vector<8x8x1x128xbf16>
    %get3A_1190 = vector.shape_cast %get3A_1189 : vector<8x8x1x128xbf16> to vector<8x8x128xbf16>
    %reshape3A_1191 = vector.shape_cast %get3A_1190 : vector<8x8x128xbf16> to vector<64x128xbf16>
    %dot_general3A_1192 = arith.constant dense<0.000000e+00> : vector<64x384xf32>
    %dot_general3A_1193 = tpu.matmul %reshape3A_1191, %get3A_743, %dot_general3A_1192 {dimension_numbers = #tpu.dot_dimension_numbers<[1], [0], [0], [1], [0, 0, 1, 1], [], []>, transpose_lhs_hint = false} : vector<64x128xbf16>, vector<128x384xbf16>, vector<64x384xf32> -> vector<64x384xf32>
    %add3A_1194 = vector.broadcast %get3A_746 : vector<1x384xf32> to vector<64x384xf32>
    %add3A_1195 = arith.addf %dot_general3A_1193, %add3A_1194 : vector<64x384xf32>
    %convert_element_type3A_1196 = arith.truncf %mul3A_1180 : vector<128x128xf32> to vector<128x128xbf16>
    %dot_general3A_1197 = arith.constant dense<0.000000e+00> : vector<128x128xf32>
    %dot_general3A_1198 = tpu.matmul %convert_element_type3A_1196, %get3A_752, %dot_general3A_1197 {dimension_numbers = #tpu.dot_dimension_numbers<[1], [0], [0], [1], [0, 0, 1, 1], [], []>, transpose_lhs_hint = false} : vector<128x128xbf16>, vector<128x128xbf16>, vector<128x128xf32> -> vector<128x128xf32>
    %add3A_1199 = vector.broadcast %get3A_755 : vector<1x128xf32> to vector<128x128xf32>
    %add3A_1200 = arith.addf %dot_general3A_1198, %add3A_1199 : vector<128x128xf32>
    %mul3A_1201 = arith.constant 5.000000e-01 : f32
    %mul3A_1202 = vector.broadcast %mul3A_1201 : f32 to vector<128x128xf32>
    %mul3A_1203 = arith.mulf %mul3A_1202, %add3A_1200 : vector<128x128xf32>
    %tanh3A_1204 = math.tanh %mul3A_1203 : vector<128x128xf32>
    %mul3A_1205 = arith.constant 5.000000e-01 : f32
    %mul3A_1206 = vector.broadcast %mul3A_1205 : f32 to vector<128x128xf32>
    %mul3A_1207 = arith.mulf %mul3A_1206, %tanh3A_1204 : vector<128x128xf32>
    %add3A_1208 = arith.constant 5.000000e-01 : f32
    %add3A_1209 = vector.broadcast %add3A_1208 : f32 to vector<128x128xf32>
    %add3A_1210 = arith.addf %mul3A_1207, %add3A_1209 : vector<128x128xf32>
    %mul3A_1211 = arith.mulf %add3A_1210, %add3A_1167 : vector<128x128xf32>
    %reshape3A_1212 = vector.shape_cast %mul3A_1180 : vector<128x128xf32> to vector<8x2x8x128xf32>
    %reshape3A_1213 = vector.shape_cast %mul3A_1211 : vector<128x128xf32> to vector<8x2x8x128xf32>
    %slice3A_1214 = vector.extract_strided_slice %reshape3A_1212 {offsets = [0, 0, 0, 0], sizes = [8, 1, 8, 128], strides = [1, 1, 1, 1]} : vector<8x2x8x128xf32> to vector<8x1x8x128xf32>
    %squeeze3A_1215 = vector.shape_cast %slice3A_1214 : vector<8x1x8x128xf32> to vector<8x8x128xf32>
    %slice3A_1216 = vector.extract_strided_slice %reshape3A_1212 {offsets = [0, 1, 0, 0], sizes = [8, 1, 8, 128], strides = [1, 1, 1, 1]} : vector<8x2x8x128xf32> to vector<8x1x8x128xf32>
    %squeeze3A_1217 = vector.shape_cast %slice3A_1216 : vector<8x1x8x128xf32> to vector<8x8x128xf32>
    %add3A_1218 = arith.addf %squeeze3A_1215, %squeeze3A_1217 : vector<8x8x128xf32>
    %reshape3A_1219 = vector.shape_cast %add3A_1218 : vector<8x8x128xf32> to vector<64x128xf32>
    %slice3A_1220 = vector.extract_strided_slice %reshape3A_1213 {offsets = [0, 0, 0, 0], sizes = [8, 1, 8, 128], strides = [1, 1, 1, 1]} : vector<8x2x8x128xf32> to vector<8x1x8x128xf32>
    %squeeze3A_1221 = vector.shape_cast %slice3A_1220 : vector<8x1x8x128xf32> to vector<8x8x128xf32>
    %slice3A_1222 = vector.extract_strided_slice %reshape3A_1213 {offsets = [0, 1, 0, 0], sizes = [8, 1, 8, 128], strides = [1, 1, 1, 1]} : vector<8x2x8x128xf32> to vector<8x1x8x128xf32>
    %squeeze3A_1223 = vector.shape_cast %slice3A_1222 : vector<8x1x8x128xf32> to vector<8x8x128xf32>
    %add3A_1224 = arith.addf %squeeze3A_1221, %squeeze3A_1223 : vector<8x8x128xf32>
    %reshape3A_1225 = vector.shape_cast %add3A_1224 : vector<8x8x128xf32> to vector<64x128xf32>
    %convert_element_type3A_1226 = arith.truncf %reshape3A_1219 : vector<64x128xf32> to vector<64x128xbf16>
    %dot_general3A_1227 = arith.constant dense<0.000000e+00> : vector<64x384xf32>
    %dot_general3A_1228 = tpu.matmul %convert_element_type3A_1226, %get3A_749, %dot_general3A_1227 {dimension_numbers = #tpu.dot_dimension_numbers<[1], [0], [0], [1], [0, 0, 1, 1], [], []>, transpose_lhs_hint = false} : vector<64x128xbf16>, vector<128x384xbf16>, vector<64x384xf32> -> vector<64x384xf32>
    %add3A_1229 = arith.addf %add3A_1195, %dot_general3A_1228 : vector<64x384xf32>
    %slice3A_1230 = vector.extract_strided_slice %add3A_1229 {offsets = [0, 0], sizes = [64, 128], strides = [1, 1]} : vector<64x384xf32> to vector<64x128xf32>
    %mul3A_1231 = arith.constant 5.000000e-01 : f32
    %mul3A_1232 = vector.broadcast %mul3A_1231 : f32 to vector<64x128xf32>
    %mul3A_1233 = arith.mulf %mul3A_1232, %slice3A_1230 : vector<64x128xf32>
    %tanh3A_1234 = math.tanh %mul3A_1233 : vector<64x128xf32>
    %mul3A_1235 = arith.constant 5.000000e-01 : f32
    %mul3A_1236 = vector.broadcast %mul3A_1235 : f32 to vector<64x128xf32>
    %mul3A_1237 = arith.mulf %mul3A_1236, %tanh3A_1234 : vector<64x128xf32>
    %add3A_1238 = arith.constant 5.000000e-01 : f32
    %add3A_1239 = vector.broadcast %add3A_1238 : f32 to vector<64x128xf32>
    %add3A_1240 = arith.addf %mul3A_1237, %add3A_1239 : vector<64x128xf32>
    %slice3A_1241 = vector.extract_strided_slice %add3A_1229 {offsets = [0, 256], sizes = [64, 128], strides = [1, 1]} : vector<64x384xf32> to vector<64x128xf32>
    %tanh3A_1242 = math.tanh %slice3A_1241 : vector<64x128xf32>
    %mul3A_1243 = arith.mulf %add3A_1240, %tanh3A_1242 : vector<64x128xf32>
    %add3A_1244 = arith.addf %mul3A_1243, %reshape3A_1225 : vector<64x128xf32>
    %slice3A_1245 = vector.extract_strided_slice %add3A_1229 {offsets = [0, 128], sizes = [64, 128], strides = [1, 1]} : vector<64x384xf32> to vector<64x128xf32>
    %mul3A_1246 = arith.constant 5.000000e-01 : f32
    %mul3A_1247 = vector.broadcast %mul3A_1246 : f32 to vector<64x128xf32>
    %mul3A_1248 = arith.mulf %mul3A_1247, %slice3A_1245 : vector<64x128xf32>
    %tanh3A_1249 = math.tanh %mul3A_1248 : vector<64x128xf32>
    %mul3A_1250 = arith.constant 5.000000e-01 : f32
    %mul3A_1251 = vector.broadcast %mul3A_1250 : f32 to vector<64x128xf32>
    %mul3A_1252 = arith.mulf %mul3A_1251, %tanh3A_1249 : vector<64x128xf32>
    %add3A_1253 = arith.constant 5.000000e-01 : f32
    %add3A_1254 = vector.broadcast %add3A_1253 : f32 to vector<64x128xf32>
    %add3A_1255 = arith.addf %mul3A_1252, %add3A_1254 : vector<64x128xf32>
    %tanh3A_1256 = math.tanh %add3A_1244 : vector<64x128xf32>
    %mul3A_1257 = arith.mulf %add3A_1255, %tanh3A_1256 : vector<64x128xf32>
    %reshape3A_1258 = vector.shape_cast %mul3A_1257 : vector<64x128xf32> to vector<8x8x128xf32>
    %reduce_sum3A_1259 = arith.constant dense<0.000000e+00> : vector<8x128xf32>
    %reduce_sum3A_1260 = vector.multi_reduction <add>, %reshape3A_1258, %reduce_sum3A_1259 [1] : vector<8x8x128xf32> to vector<8x128xf32>
    %add3A_1261 = arith.addf %add3A_1184, %reduce_sum3A_1260 : vector<8x128xf32>
    %get3A_1262 = arith.constant 0 : index
    %get3A_1263 = arith.constant 1016 : index
    %get3A_1264 = arith.constant 1 : index
    %get3A_1265 = arith.constant 0 : index
    %get3A_1266 = vector.load %arg1[%get3A_1262, %get3A_1263, %get3A_1264, %get3A_1265] : memref<8x1023x2x128xbf16, #tpu.memory_space<vmem>>, vector<8x4x1x128xbf16>
    %get3A_1267 = vector.shape_cast %get3A_1266 : vector<8x4x1x128xbf16> to vector<8x4x128xbf16>
    %reshape3A_1268 = vector.shape_cast %get3A_1267 : vector<8x4x128xbf16> to vector<32x128xbf16>
    %dot_general3A_1269 = arith.constant dense<0.000000e+00> : vector<32x384xf32>
    %dot_general3A_1270 = tpu.matmul %reshape3A_1268, %get3A_743, %dot_general3A_1269 {dimension_numbers = #tpu.dot_dimension_numbers<[1], [0], [0], [1], [0, 0, 1, 1], [], []>, transpose_lhs_hint = false} : vector<32x128xbf16>, vector<128x384xbf16>, vector<32x384xf32> -> vector<32x384xf32>
    %add3A_1271 = vector.broadcast %get3A_746 : vector<1x384xf32> to vector<32x384xf32>
    %add3A_1272 = arith.addf %dot_general3A_1270, %add3A_1271 : vector<32x384xf32>
    %convert_element_type3A_1273 = arith.truncf %mul3A_1257 : vector<64x128xf32> to vector<64x128xbf16>
    %dot_general3A_1274 = arith.constant dense<0.000000e+00> : vector<64x128xf32>
    %dot_general3A_1275 = tpu.matmul %convert_element_type3A_1273, %get3A_752, %dot_general3A_1274 {dimension_numbers = #tpu.dot_dimension_numbers<[1], [0], [0], [1], [0, 0, 1, 1], [], []>, transpose_lhs_hint = false} : vector<64x128xbf16>, vector<128x128xbf16>, vector<64x128xf32> -> vector<64x128xf32>
    %add3A_1276 = vector.broadcast %get3A_755 : vector<1x128xf32> to vector<64x128xf32>
    %add3A_1277 = arith.addf %dot_general3A_1275, %add3A_1276 : vector<64x128xf32>
    %mul3A_1278 = arith.constant 5.000000e-01 : f32
    %mul3A_1279 = vector.broadcast %mul3A_1278 : f32 to vector<64x128xf32>
    %mul3A_1280 = arith.mulf %mul3A_1279, %add3A_1277 : vector<64x128xf32>
    %tanh3A_1281 = math.tanh %mul3A_1280 : vector<64x128xf32>
    %mul3A_1282 = arith.constant 5.000000e-01 : f32
    %mul3A_1283 = vector.broadcast %mul3A_1282 : f32 to vector<64x128xf32>
    %mul3A_1284 = arith.mulf %mul3A_1283, %tanh3A_1281 : vector<64x128xf32>
    %add3A_1285 = arith.constant 5.000000e-01 : f32
    %add3A_1286 = vector.broadcast %add3A_1285 : f32 to vector<64x128xf32>
    %add3A_1287 = arith.addf %mul3A_1284, %add3A_1286 : vector<64x128xf32>
    %mul3A_1288 = arith.mulf %add3A_1287, %add3A_1244 : vector<64x128xf32>
    %reshape3A_1289 = vector.shape_cast %mul3A_1257 : vector<64x128xf32> to vector<8x2x4x128xf32>
    %reshape3A_1290 = vector.shape_cast %mul3A_1288 : vector<64x128xf32> to vector<8x2x4x128xf32>
    %slice3A_1291 = vector.extract_strided_slice %reshape3A_1289 {offsets = [0, 0, 0, 0], sizes = [8, 1, 4, 128], strides = [1, 1, 1, 1]} : vector<8x2x4x128xf32> to vector<8x1x4x128xf32>
    %squeeze3A_1292 = vector.shape_cast %slice3A_1291 : vector<8x1x4x128xf32> to vector<8x4x128xf32>
    %slice3A_1293 = vector.extract_strided_slice %reshape3A_1289 {offsets = [0, 1, 0, 0], sizes = [8, 1, 4, 128], strides = [1, 1, 1, 1]} : vector<8x2x4x128xf32> to vector<8x1x4x128xf32>
    %squeeze3A_1294 = vector.shape_cast %slice3A_1293 : vector<8x1x4x128xf32> to vector<8x4x128xf32>
    %add3A_1295 = arith.addf %squeeze3A_1292, %squeeze3A_1294 : vector<8x4x128xf32>
    %reshape3A_1296 = vector.shape_cast %add3A_1295 : vector<8x4x128xf32> to vector<32x128xf32>
    %slice3A_1297 = vector.extract_strided_slice %reshape3A_1290 {offsets = [0, 0, 0, 0], sizes = [8, 1, 4, 128], strides = [1, 1, 1, 1]} : vector<8x2x4x128xf32> to vector<8x1x4x128xf32>
    %squeeze3A_1298 = vector.shape_cast %slice3A_1297 : vector<8x1x4x128xf32> to vector<8x4x128xf32>
    %slice3A_1299 = vector.extract_strided_slice %reshape3A_1290 {offsets = [0, 1, 0, 0], sizes = [8, 1, 4, 128], strides = [1, 1, 1, 1]} : vector<8x2x4x128xf32> to vector<8x1x4x128xf32>
    %squeeze3A_1300 = vector.shape_cast %slice3A_1299 : vector<8x1x4x128xf32> to vector<8x4x128xf32>
    %add3A_1301 = arith.addf %squeeze3A_1298, %squeeze3A_1300 : vector<8x4x128xf32>
    %reshape3A_1302 = vector.shape_cast %add3A_1301 : vector<8x4x128xf32> to vector<32x128xf32>
    %convert_element_type3A_1303 = arith.truncf %reshape3A_1296 : vector<32x128xf32> to vector<32x128xbf16>
    %dot_general3A_1304 = arith.constant dense<0.000000e+00> : vector<32x384xf32>
    %dot_general3A_1305 = tpu.matmul %convert_element_type3A_1303, %get3A_749, %dot_general3A_1304 {dimension_numbers = #tpu.dot_dimension_numbers<[1], [0], [0], [1], [0, 0, 1, 1], [], []>, transpose_lhs_hint = false} : vector<32x128xbf16>, vector<128x384xbf16>, vector<32x384xf32> -> vector<32x384xf32>
    %add3A_1306 = arith.addf %add3A_1272, %dot_general3A_1305 : vector<32x384xf32>
    %slice3A_1307 = vector.extract_strided_slice %add3A_1306 {offsets = [0, 0], sizes = [32, 128], strides = [1, 1]} : vector<32x384xf32> to vector<32x128xf32>
    %mul3A_1308 = arith.constant 5.000000e-01 : f32
    %mul3A_1309 = vector.broadcast %mul3A_1308 : f32 to vector<32x128xf32>
    %mul3A_1310 = arith.mulf %mul3A_1309, %slice3A_1307 : vector<32x128xf32>
    %tanh3A_1311 = math.tanh %mul3A_1310 : vector<32x128xf32>
    %mul3A_1312 = arith.constant 5.000000e-01 : f32
    %mul3A_1313 = vector.broadcast %mul3A_1312 : f32 to vector<32x128xf32>
    %mul3A_1314 = arith.mulf %mul3A_1313, %tanh3A_1311 : vector<32x128xf32>
    %add3A_1315 = arith.constant 5.000000e-01 : f32
    %add3A_1316 = vector.broadcast %add3A_1315 : f32 to vector<32x128xf32>
    %add3A_1317 = arith.addf %mul3A_1314, %add3A_1316 : vector<32x128xf32>
    %slice3A_1318 = vector.extract_strided_slice %add3A_1306 {offsets = [0, 256], sizes = [32, 128], strides = [1, 1]} : vector<32x384xf32> to vector<32x128xf32>
    %tanh3A_1319 = math.tanh %slice3A_1318 : vector<32x128xf32>
    %mul3A_1320 = arith.mulf %add3A_1317, %tanh3A_1319 : vector<32x128xf32>
    %add3A_1321 = arith.addf %mul3A_1320, %reshape3A_1302 : vector<32x128xf32>
    %slice3A_1322 = vector.extract_strided_slice %add3A_1306 {offsets = [0, 128], sizes = [32, 128], strides = [1, 1]} : vector<32x384xf32> to vector<32x128xf32>
    %mul3A_1323 = arith.constant 5.000000e-01 : f32
    %mul3A_1324 = vector.broadcast %mul3A_1323 : f32 to vector<32x128xf32>
    %mul3A_1325 = arith.mulf %mul3A_1324, %slice3A_1322 : vector<32x128xf32>
    %tanh3A_1326 = math.tanh %mul3A_1325 : vector<32x128xf32>
    %mul3A_1327 = arith.constant 5.000000e-01 : f32
    %mul3A_1328 = vector.broadcast %mul3A_1327 : f32 to vector<32x128xf32>
    %mul3A_1329 = arith.mulf %mul3A_1328, %tanh3A_1326 : vector<32x128xf32>
    %add3A_1330 = arith.constant 5.000000e-01 : f32
    %add3A_1331 = vector.broadcast %add3A_1330 : f32 to vector<32x128xf32>
    %add3A_1332 = arith.addf %mul3A_1329, %add3A_1331 : vector<32x128xf32>
    %tanh3A_1333 = math.tanh %add3A_1321 : vector<32x128xf32>
    %mul3A_1334 = arith.mulf %add3A_1332, %tanh3A_1333 : vector<32x128xf32>
    %reshape3A_1335 = vector.shape_cast %mul3A_1334 : vector<32x128xf32> to vector<8x4x128xf32>
    %reduce_sum3A_1336 = arith.constant dense<0.000000e+00> : vector<8x128xf32>
    %reduce_sum3A_1337 = vector.multi_reduction <add>, %reshape3A_1335, %reduce_sum3A_1336 [1] : vector<8x4x128xf32> to vector<8x128xf32>
    %add3A_1338 = arith.addf %add3A_1261, %reduce_sum3A_1337 : vector<8x128xf32>
    %get3A_1339 = arith.constant 0 : index
    %get3A_1340 = arith.constant 1020 : index
    %get3A_1341 = arith.constant 1 : index
    %get3A_1342 = arith.constant 0 : index
    %get3A_1343 = vector.load %arg1[%get3A_1339, %get3A_1340, %get3A_1341, %get3A_1342] : memref<8x1023x2x128xbf16, #tpu.memory_space<vmem>>, vector<8x2x1x128xbf16>
    %get3A_1344 = vector.shape_cast %get3A_1343 : vector<8x2x1x128xbf16> to vector<8x2x128xbf16>
    %reshape3A_1345 = vector.shape_cast %get3A_1344 : vector<8x2x128xbf16> to vector<16x128xbf16>
    %dot_general3A_1346 = arith.constant dense<0.000000e+00> : vector<16x384xf32>
    %dot_general3A_1347 = tpu.matmul %reshape3A_1345, %get3A_743, %dot_general3A_1346 {dimension_numbers = #tpu.dot_dimension_numbers<[1], [0], [0], [1], [0, 0, 1, 1], [], []>, transpose_lhs_hint = false} : vector<16x128xbf16>, vector<128x384xbf16>, vector<16x384xf32> -> vector<16x384xf32>
    %add3A_1348 = vector.broadcast %get3A_746 : vector<1x384xf32> to vector<16x384xf32>
    %add3A_1349 = arith.addf %dot_general3A_1347, %add3A_1348 : vector<16x384xf32>
    %convert_element_type3A_1350 = arith.truncf %mul3A_1334 : vector<32x128xf32> to vector<32x128xbf16>
    %dot_general3A_1351 = arith.constant dense<0.000000e+00> : vector<32x128xf32>
    %dot_general3A_1352 = tpu.matmul %convert_element_type3A_1350, %get3A_752, %dot_general3A_1351 {dimension_numbers = #tpu.dot_dimension_numbers<[1], [0], [0], [1], [0, 0, 1, 1], [], []>, transpose_lhs_hint = false} : vector<32x128xbf16>, vector<128x128xbf16>, vector<32x128xf32> -> vector<32x128xf32>
    %add3A_1353 = vector.broadcast %get3A_755 : vector<1x128xf32> to vector<32x128xf32>
    %add3A_1354 = arith.addf %dot_general3A_1352, %add3A_1353 : vector<32x128xf32>
    %mul3A_1355 = arith.constant 5.000000e-01 : f32
    %mul3A_1356 = vector.broadcast %mul3A_1355 : f32 to vector<32x128xf32>
    %mul3A_1357 = arith.mulf %mul3A_1356, %add3A_1354 : vector<32x128xf32>
    %tanh3A_1358 = math.tanh %mul3A_1357 : vector<32x128xf32>
    %mul3A_1359 = arith.constant 5.000000e-01 : f32
    %mul3A_1360 = vector.broadcast %mul3A_1359 : f32 to vector<32x128xf32>
    %mul3A_1361 = arith.mulf %mul3A_1360, %tanh3A_1358 : vector<32x128xf32>
    %add3A_1362 = arith.constant 5.000000e-01 : f32
    %add3A_1363 = vector.broadcast %add3A_1362 : f32 to vector<32x128xf32>
    %add3A_1364 = arith.addf %mul3A_1361, %add3A_1363 : vector<32x128xf32>
    %mul3A_1365 = arith.mulf %add3A_1364, %add3A_1321 : vector<32x128xf32>
    %reshape3A_1366 = vector.shape_cast %mul3A_1334 : vector<32x128xf32> to vector<8x2x2x128xf32>
    %reshape3A_1367 = vector.shape_cast %mul3A_1365 : vector<32x128xf32> to vector<8x2x2x128xf32>
    %slice3A_1368 = vector.extract_strided_slice %reshape3A_1366 {offsets = [0, 0, 0, 0], sizes = [8, 1, 2, 128], strides = [1, 1, 1, 1]} : vector<8x2x2x128xf32> to vector<8x1x2x128xf32>
    %squeeze3A_1369 = vector.shape_cast %slice3A_1368 : vector<8x1x2x128xf32> to vector<8x2x128xf32>
    %slice3A_1370 = vector.extract_strided_slice %reshape3A_1366 {offsets = [0, 1, 0, 0], sizes = [8, 1, 2, 128], strides = [1, 1, 1, 1]} : vector<8x2x2x128xf32> to vector<8x1x2x128xf32>
    %squeeze3A_1371 = vector.shape_cast %slice3A_1370 : vector<8x1x2x128xf32> to vector<8x2x128xf32>
    %add3A_1372 = arith.addf %squeeze3A_1369, %squeeze3A_1371 : vector<8x2x128xf32>
    %reshape3A_1373 = vector.shape_cast %add3A_1372 : vector<8x2x128xf32> to vector<16x128xf32>
    %slice3A_1374 = vector.extract_strided_slice %reshape3A_1367 {offsets = [0, 0, 0, 0], sizes = [8, 1, 2, 128], strides = [1, 1, 1, 1]} : vector<8x2x2x128xf32> to vector<8x1x2x128xf32>
    %squeeze3A_1375 = vector.shape_cast %slice3A_1374 : vector<8x1x2x128xf32> to vector<8x2x128xf32>
    %slice3A_1376 = vector.extract_strided_slice %reshape3A_1367 {offsets = [0, 1, 0, 0], sizes = [8, 1, 2, 128], strides = [1, 1, 1, 1]} : vector<8x2x2x128xf32> to vector<8x1x2x128xf32>
    %squeeze3A_1377 = vector.shape_cast %slice3A_1376 : vector<8x1x2x128xf32> to vector<8x2x128xf32>
    %add3A_1378 = arith.addf %squeeze3A_1375, %squeeze3A_1377 : vector<8x2x128xf32>
    %reshape3A_1379 = vector.shape_cast %add3A_1378 : vector<8x2x128xf32> to vector<16x128xf32>
    %convert_element_type3A_1380 = arith.truncf %reshape3A_1373 : vector<16x128xf32> to vector<16x128xbf16>
    %dot_general3A_1381 = arith.constant dense<0.000000e+00> : vector<16x384xf32>
    %dot_general3A_1382 = tpu.matmul %convert_element_type3A_1380, %get3A_749, %dot_general3A_1381 {dimension_numbers = #tpu.dot_dimension_numbers<[1], [0], [0], [1], [0, 0, 1, 1], [], []>, transpose_lhs_hint = false} : vector<16x128xbf16>, vector<128x384xbf16>, vector<16x384xf32> -> vector<16x384xf32>
    %add3A_1383 = arith.addf %add3A_1349, %dot_general3A_1382 : vector<16x384xf32>
    %slice3A_1384 = vector.extract_strided_slice %add3A_1383 {offsets = [0, 0], sizes = [16, 128], strides = [1, 1]} : vector<16x384xf32> to vector<16x128xf32>
    %mul3A_1385 = arith.constant 5.000000e-01 : f32
    %mul3A_1386 = vector.broadcast %mul3A_1385 : f32 to vector<16x128xf32>
    %mul3A_1387 = arith.mulf %mul3A_1386, %slice3A_1384 : vector<16x128xf32>
    %tanh3A_1388 = math.tanh %mul3A_1387 : vector<16x128xf32>
    %mul3A_1389 = arith.constant 5.000000e-01 : f32
    %mul3A_1390 = vector.broadcast %mul3A_1389 : f32 to vector<16x128xf32>
    %mul3A_1391 = arith.mulf %mul3A_1390, %tanh3A_1388 : vector<16x128xf32>
    %add3A_1392 = arith.constant 5.000000e-01 : f32
    %add3A_1393 = vector.broadcast %add3A_1392 : f32 to vector<16x128xf32>
    %add3A_1394 = arith.addf %mul3A_1391, %add3A_1393 : vector<16x128xf32>
    %slice3A_1395 = vector.extract_strided_slice %add3A_1383 {offsets = [0, 256], sizes = [16, 128], strides = [1, 1]} : vector<16x384xf32> to vector<16x128xf32>
    %tanh3A_1396 = math.tanh %slice3A_1395 : vector<16x128xf32>
    %mul3A_1397 = arith.mulf %add3A_1394, %tanh3A_1396 : vector<16x128xf32>
    %add3A_1398 = arith.addf %mul3A_1397, %reshape3A_1379 : vector<16x128xf32>
    %slice3A_1399 = vector.extract_strided_slice %add3A_1383 {offsets = [0, 128], sizes = [16, 128], strides = [1, 1]} : vector<16x384xf32> to vector<16x128xf32>
    %mul3A_1400 = arith.constant 5.000000e-01 : f32
    %mul3A_1401 = vector.broadcast %mul3A_1400 : f32 to vector<16x128xf32>
    %mul3A_1402 = arith.mulf %mul3A_1401, %slice3A_1399 : vector<16x128xf32>
    %tanh3A_1403 = math.tanh %mul3A_1402 : vector<16x128xf32>
    %mul3A_1404 = arith.constant 5.000000e-01 : f32
    %mul3A_1405 = vector.broadcast %mul3A_1404 : f32 to vector<16x128xf32>
    %mul3A_1406 = arith.mulf %mul3A_1405, %tanh3A_1403 : vector<16x128xf32>
    %add3A_1407 = arith.constant 5.000000e-01 : f32
    %add3A_1408 = vector.broadcast %add3A_1407 : f32 to vector<16x128xf32>
    %add3A_1409 = arith.addf %mul3A_1406, %add3A_1408 : vector<16x128xf32>
    %tanh3A_1410 = math.tanh %add3A_1398 : vector<16x128xf32>
    %mul3A_1411 = arith.mulf %add3A_1409, %tanh3A_1410 : vector<16x128xf32>
    %reshape3A_1412 = vector.shape_cast %mul3A_1411 : vector<16x128xf32> to vector<8x2x128xf32>
    %reduce_sum3A_1413 = arith.constant dense<0.000000e+00> : vector<8x128xf32>
    %reduce_sum3A_1414 = vector.multi_reduction <add>, %reshape3A_1412, %reduce_sum3A_1413 [1] : vector<8x2x128xf32> to vector<8x128xf32>
    %add3A_1415 = arith.addf %add3A_1338, %reduce_sum3A_1414 : vector<8x128xf32>
    %get3A_1416 = arith.constant 0 : index
    %get3A_1417 = arith.constant 1022 : index
    %get3A_1418 = arith.constant 1 : index
    %get3A_1419 = arith.constant 0 : index
    %get3A_1420 = vector.load %arg1[%get3A_1416, %get3A_1417, %get3A_1418, %get3A_1419] : memref<8x1023x2x128xbf16, #tpu.memory_space<vmem>>, vector<8x1x1x128xbf16>
    %get3A_1421 = vector.shape_cast %get3A_1420 : vector<8x1x1x128xbf16> to vector<8x1x128xbf16>
    %reshape3A_1422 = vector.shape_cast %get3A_1421 : vector<8x1x128xbf16> to vector<8x128xbf16>
    %dot_general3A_1423 = arith.constant dense<0.000000e+00> : vector<8x384xf32>
    %dot_general3A_1424 = tpu.matmul %reshape3A_1422, %get3A_743, %dot_general3A_1423 {dimension_numbers = #tpu.dot_dimension_numbers<[1], [0], [0], [1], [0, 0, 1, 1], [], []>, transpose_lhs_hint = false} : vector<8x128xbf16>, vector<128x384xbf16>, vector<8x384xf32> -> vector<8x384xf32>
    %add3A_1425 = vector.broadcast %get3A_746 : vector<1x384xf32> to vector<8x384xf32>
    %add3A_1426 = arith.addf %dot_general3A_1424, %add3A_1425 : vector<8x384xf32>
    %convert_element_type3A_1427 = arith.truncf %mul3A_1411 : vector<16x128xf32> to vector<16x128xbf16>
    %dot_general3A_1428 = arith.constant dense<0.000000e+00> : vector<16x128xf32>
    %dot_general3A_1429 = tpu.matmul %convert_element_type3A_1427, %get3A_752, %dot_general3A_1428 {dimension_numbers = #tpu.dot_dimension_numbers<[1], [0], [0], [1], [0, 0, 1, 1], [], []>, transpose_lhs_hint = false} : vector<16x128xbf16>, vector<128x128xbf16>, vector<16x128xf32> -> vector<16x128xf32>
    %add3A_1430 = vector.broadcast %get3A_755 : vector<1x128xf32> to vector<16x128xf32>
    %add3A_1431 = arith.addf %dot_general3A_1429, %add3A_1430 : vector<16x128xf32>
    %mul3A_1432 = arith.constant 5.000000e-01 : f32
    %mul3A_1433 = vector.broadcast %mul3A_1432 : f32 to vector<16x128xf32>
    %mul3A_1434 = arith.mulf %mul3A_1433, %add3A_1431 : vector<16x128xf32>
    %tanh3A_1435 = math.tanh %mul3A_1434 : vector<16x128xf32>
    %mul3A_1436 = arith.constant 5.000000e-01 : f32
    %mul3A_1437 = vector.broadcast %mul3A_1436 : f32 to vector<16x128xf32>
    %mul3A_1438 = arith.mulf %mul3A_1437, %tanh3A_1435 : vector<16x128xf32>
    %add3A_1439 = arith.constant 5.000000e-01 : f32
    %add3A_1440 = vector.broadcast %add3A_1439 : f32 to vector<16x128xf32>
    %add3A_1441 = arith.addf %mul3A_1438, %add3A_1440 : vector<16x128xf32>
    %mul3A_1442 = arith.mulf %add3A_1441, %add3A_1398 : vector<16x128xf32>
    %reshape3A_1443 = vector.shape_cast %mul3A_1411 : vector<16x128xf32> to vector<8x2x1x128xf32>
    %reshape3A_1444 = vector.shape_cast %mul3A_1442 : vector<16x128xf32> to vector<8x2x1x128xf32>
    %slice3A_1445 = vector.extract_strided_slice %reshape3A_1443 {offsets = [0, 0, 0, 0], sizes = [8, 1, 1, 128], strides = [1, 1, 1, 1]} : vector<8x2x1x128xf32> to vector<8x1x1x128xf32>
    %squeeze3A_1446 = vector.shape_cast %slice3A_1445 : vector<8x1x1x128xf32> to vector<8x1x128xf32>
    %slice3A_1447 = vector.extract_strided_slice %reshape3A_1443 {offsets = [0, 1, 0, 0], sizes = [8, 1, 1, 128], strides = [1, 1, 1, 1]} : vector<8x2x1x128xf32> to vector<8x1x1x128xf32>
    %squeeze3A_1448 = vector.shape_cast %slice3A_1447 : vector<8x1x1x128xf32> to vector<8x1x128xf32>
    %add3A_1449 = arith.addf %squeeze3A_1446, %squeeze3A_1448 : vector<8x1x128xf32>
    %reshape3A_1450 = vector.shape_cast %add3A_1449 : vector<8x1x128xf32> to vector<8x128xf32>
    %slice3A_1451 = vector.extract_strided_slice %reshape3A_1444 {offsets = [0, 0, 0, 0], sizes = [8, 1, 1, 128], strides = [1, 1, 1, 1]} : vector<8x2x1x128xf32> to vector<8x1x1x128xf32>
    %squeeze3A_1452 = vector.shape_cast %slice3A_1451 : vector<8x1x1x128xf32> to vector<8x1x128xf32>
    %slice3A_1453 = vector.extract_strided_slice %reshape3A_1444 {offsets = [0, 1, 0, 0], sizes = [8, 1, 1, 128], strides = [1, 1, 1, 1]} : vector<8x2x1x128xf32> to vector<8x1x1x128xf32>
    %squeeze3A_1454 = vector.shape_cast %slice3A_1453 : vector<8x1x1x128xf32> to vector<8x1x128xf32>
    %add3A_1455 = arith.addf %squeeze3A_1452, %squeeze3A_1454 : vector<8x1x128xf32>
    %reshape3A_1456 = vector.shape_cast %add3A_1455 : vector<8x1x128xf32> to vector<8x128xf32>
    %convert_element_type3A_1457 = arith.truncf %reshape3A_1450 : vector<8x128xf32> to vector<8x128xbf16>
    %dot_general3A_1458 = arith.constant dense<0.000000e+00> : vector<8x384xf32>
    %dot_general3A_1459 = tpu.matmul %convert_element_type3A_1457, %get3A_749, %dot_general3A_1458 {dimension_numbers = #tpu.dot_dimension_numbers<[1], [0], [0], [1], [0, 0, 1, 1], [], []>, transpose_lhs_hint = false} : vector<8x128xbf16>, vector<128x384xbf16>, vector<8x384xf32> -> vector<8x384xf32>
    %add3A_1460 = arith.addf %add3A_1426, %dot_general3A_1459 : vector<8x384xf32>
    %slice3A_1461 = vector.extract_strided_slice %add3A_1460 {offsets = [0, 0], sizes = [8, 128], strides = [1, 1]} : vector<8x384xf32> to vector<8x128xf32>
    %mul3A_1462 = arith.constant 5.000000e-01 : f32
    %mul3A_1463 = vector.broadcast %mul3A_1462 : f32 to vector<8x128xf32>
    %mul3A_1464 = arith.mulf %mul3A_1463, %slice3A_1461 : vector<8x128xf32>
    %tanh3A_1465 = math.tanh %mul3A_1464 : vector<8x128xf32>
    %mul3A_1466 = arith.constant 5.000000e-01 : f32
    %mul3A_1467 = vector.broadcast %mul3A_1466 : f32 to vector<8x128xf32>
    %mul3A_1468 = arith.mulf %mul3A_1467, %tanh3A_1465 : vector<8x128xf32>
    %add3A_1469 = arith.constant 5.000000e-01 : f32
    %add3A_1470 = vector.broadcast %add3A_1469 : f32 to vector<8x128xf32>
    %add3A_1471 = arith.addf %mul3A_1468, %add3A_1470 : vector<8x128xf32>
    %slice3A_1472 = vector.extract_strided_slice %add3A_1460 {offsets = [0, 256], sizes = [8, 128], strides = [1, 1]} : vector<8x384xf32> to vector<8x128xf32>
    %tanh3A_1473 = math.tanh %slice3A_1472 : vector<8x128xf32>
    %mul3A_1474 = arith.mulf %add3A_1471, %tanh3A_1473 : vector<8x128xf32>
    %add3A_1475 = arith.addf %mul3A_1474, %reshape3A_1456 : vector<8x128xf32>
    %slice3A_1476 = vector.extract_strided_slice %add3A_1460 {offsets = [0, 128], sizes = [8, 128], strides = [1, 1]} : vector<8x384xf32> to vector<8x128xf32>
    %mul3A_1477 = arith.constant 5.000000e-01 : f32
    %mul3A_1478 = vector.broadcast %mul3A_1477 : f32 to vector<8x128xf32>
    %mul3A_1479 = arith.mulf %mul3A_1478, %slice3A_1476 : vector<8x128xf32>
    %tanh3A_1480 = math.tanh %mul3A_1479 : vector<8x128xf32>
    %mul3A_1481 = arith.constant 5.000000e-01 : f32
    %mul3A_1482 = vector.broadcast %mul3A_1481 : f32 to vector<8x128xf32>
    %mul3A_1483 = arith.mulf %mul3A_1482, %tanh3A_1480 : vector<8x128xf32>
    %add3A_1484 = arith.constant 5.000000e-01 : f32
    %add3A_1485 = vector.broadcast %add3A_1484 : f32 to vector<8x128xf32>
    %add3A_1486 = arith.addf %mul3A_1483, %add3A_1485 : vector<8x128xf32>
    %tanh3A_1487 = math.tanh %add3A_1475 : vector<8x128xf32>
    %mul3A_1488 = arith.mulf %add3A_1486, %tanh3A_1487 : vector<8x128xf32>
    %reshape3A_1489 = vector.shape_cast %mul3A_1488 : vector<8x128xf32> to vector<8x1x128xf32>
    %reduce_sum3A_1490 = arith.constant dense<0.000000e+00> : vector<8x128xf32>
    %reduce_sum3A_1491 = vector.multi_reduction <add>, %reshape3A_1489, %reduce_sum3A_1490 [1] : vector<8x1x128xf32> to vector<8x128xf32>
    %add3A_1492 = arith.addf %add3A_1415, %reduce_sum3A_1491 : vector<8x128xf32>
    %mul3A_1493 = arith.constant 8 : i32
    %mul3A_1494 = arith.muli %arg0, %mul3A_1493 : i32
    %swap3A = arith.index_cast %mul3A_1494 : i32 to index
    %swap3A_1495 = arith.constant 0 : index
    %swap3A_1496 = vector.load %arg15[%swap3A, %swap3A_1495] : memref<64x128xf32, #tpu.memory_space<vmem>>, vector<8x128xf32>
    tpu.vector_store %arg15[%swap3A, %swap3A_1495], %add3A_740 {strides = array<i32>} : memref<64x128xf32, #tpu.memory_space<vmem>>, vector<8x128xf32>,
    %mul3A_1497 = arith.constant 8 : i32
    %mul3A_1498 = arith.muli %arg0, %mul3A_1497 : i32
    %swap3A_1499 = arith.index_cast %mul3A_1498 : i32 to index
    %swap3A_1500 = arith.constant 0 : index
    %swap3A_1501 = vector.load %arg16[%swap3A_1499, %swap3A_1500] : memref<64x128xf32, #tpu.memory_space<vmem>>, vector<8x128xf32>
    tpu.vector_store %arg16[%swap3A_1499, %swap3A_1500], %add3A_1492 {strides = array<i32>} : memref<64x128xf32, #tpu.memory_space<vmem>>, vector<8x128xf32>,
    %eq3A = arith.constant 7 : i32
    %eq3A_1502 = arith.cmpi eq, %arg0, %eq3A : i32
    %convert_element_type3A_1503 = arith.extui %eq3A_1502 : i1 to i32
    %cond3A = arith.constant 0 : i32
    %cond3A_1504 = arith.cmpi ne, %convert_element_type3A_1503, %cond3A : i32
    scf.if %cond3A_1504 {
      %get3A_1505 = arith.constant 0 : index
      %get3A_1506 = arith.constant 0 : index
      %get3A_1507 = vector.load %arg15[%get3A_1505, %get3A_1506] : memref<64x128xf32, #tpu.memory_space<vmem>>, vector<64x128xf32>
      %mul3A_1508 = arith.constant 9.77517105E-4 : f32
      %mul3A_1509 = vector.broadcast %mul3A_1508 : f32 to vector<64x128xf32>
      %mul3A_1510 = arith.mulf %get3A_1507, %mul3A_1509 : vector<64x128xf32>
      %max3A = arith.constant 0.000000e+00 : f32
      %max3A_1511 = vector.broadcast %max3A : f32 to vector<64x128xf32>
      %max3A_1512 = arith.maximumf %mul3A_1510, %max3A_1511 : vector<64x128xf32>
      %get3A_1513 = arith.constant 0 : index
      %get3A_1514 = arith.constant 0 : index
      %get3A_1515 = vector.load %arg16[%get3A_1513, %get3A_1514] : memref<64x128xf32, #tpu.memory_space<vmem>>, vector<64x128xf32>
      %mul3A_1516 = arith.constant 9.77517105E-4 : f32
      %mul3A_1517 = vector.broadcast %mul3A_1516 : f32 to vector<64x128xf32>
      %mul3A_1518 = arith.mulf %get3A_1515, %mul3A_1517 : vector<64x128xf32>
      %max3A_1519 = arith.constant 0.000000e+00 : f32
      %max3A_1520 = vector.broadcast %max3A_1519 : f32 to vector<64x128xf32>
      %max3A_1521 = arith.maximumf %mul3A_1518, %max3A_1520 : vector<64x128xf32>
      %get3A_1522 = arith.constant 0 : index
      %get3A_1523 = arith.constant 0 : index
      %get3A_1524 = vector.load %arg12[%get3A_1522, %get3A_1523] : memref<256x128xf32, #tpu.memory_space<vmem>>, vector<256x128xf32>
      %slice3A_1525 = vector.extract_strided_slice %get3A_1524 {offsets = [0, 0], sizes = [128, 128], strides = [1, 1]} : vector<256x128xf32> to vector<128x128xf32>
      %dot_general3A_1526 = arith.constant dense<0.000000e+00> : vector<64x128xf32>
      %dot_general3A_1527 = tpu.matmul %max3A_1512, %slice3A_1525, %dot_general3A_1526 {dimension_numbers = #tpu.dot_dimension_numbers<[1], [0], [0], [1], [0, 0, 1, 1], [], []>, transpose_lhs_hint = false} : vector<64x128xf32>, vector<128x128xf32>, vector<64x128xf32> -> vector<64x128xf32>
      %slice3A_1528 = vector.extract_strided_slice %get3A_1524 {offsets = [128, 0], sizes = [128, 128], strides = [1, 1]} : vector<256x128xf32> to vector<128x128xf32>
      %dot_general3A_1529 = arith.constant dense<0.000000e+00> : vector<64x128xf32>
      %dot_general3A_1530 = tpu.matmul %max3A_1521, %slice3A_1528, %dot_general3A_1529 {dimension_numbers = #tpu.dot_dimension_numbers<[1], [0], [0], [1], [0, 0, 1, 1], [], []>, transpose_lhs_hint = false} : vector<64x128xf32>, vector<128x128xf32>, vector<64x128xf32> -> vector<64x128xf32>
      %add3A_1531 = arith.addf %dot_general3A_1527, %dot_general3A_1530 : vector<64x128xf32>
      %get3A_1532 = arith.constant 0 : index
      %get3A_1533 = arith.constant 0 : index
      %get3A_1534 = vector.load %arg13[%get3A_1532, %get3A_1533] : memref<1x128xf32, #tpu.memory_space<vmem>>, vector<1x128xf32>
      %add3A_1535 = vector.broadcast %get3A_1534 : vector<1x128xf32> to vector<64x128xf32>
      %add3A_1536 = arith.addf %add3A_1531, %add3A_1535 : vector<64x128xf32>
      %ge3A = arith.constant 0.000000e+00 : f32
      %ge3A_1537 = vector.broadcast %ge3A : f32 to vector<64x128xf32>
      %ge3A_1538 = arith.cmpf oge, %add3A_1536, %ge3A_1537 : vector<64x128xf32>
      %mul3A_1539 = arith.constant 0.00999999977 : f32
      %mul3A_1540 = vector.broadcast %mul3A_1539 : f32 to vector<64x128xf32>
      %mul3A_1541 = arith.mulf %mul3A_1540, %add3A_1536 : vector<64x128xf32>
      %select_n3A = arith.select %ge3A_1538, %add3A_1536, %mul3A_1541 : vector<64x128xi1>, vector<64x128xf32>
      %iota3A = tpu.iota {dimensions = array<i32: 1>} : vector<64x128xi32>
      %lt3A = arith.constant 2 : i32
      %lt3A_1542 = vector.broadcast %lt3A : i32 to vector<64x128xi32>
      %lt3A_1543 = arith.cmpi slt, %iota3A, %lt3A_1542 : vector<64x128xi32>
      %jit3A = arith.constant 0xFF800000 : f32
      %broadcast_in_dim3A_1544 = vector.broadcast %jit3A : f32 to vector<64x128xf32>
      %select_n3A_1545 = arith.select %lt3A_1543, %select_n3A, %broadcast_in_dim3A_1544 : vector<64x128xi1>, vector<64x128xf32>
      %reduce_max3A = arith.constant dense<0xFF800000> : vector<64xf32>
      %reduce_max3A_1546 = vector.multi_reduction <maximumf>, %select_n3A_1545, %reduce_max3A [1] : vector<64x128xf32> to vector<64xf32>
      %broadcast_in_dim3A_1547 = vector.shape_cast %reduce_max3A_1546 : vector<64xf32> to vector<64x1xf32>
      %sub3A = vector.broadcast %broadcast_in_dim3A_1547 : vector<64x1xf32> to vector<64x128xf32>
      %sub3A_1548 = arith.subf %select_n3A_1545, %sub3A : vector<64x128xf32>
      %exp3A = math.exp %sub3A_1548 : vector<64x128xf32>
      %reduce_sum3A_1549 = arith.constant dense<0.000000e+00> : vector<64xf32>
      %reduce_sum3A_1550 = vector.multi_reduction <add>, %exp3A, %reduce_sum3A_1549 [1] : vector<64x128xf32> to vector<64xf32>
      %broadcast_in_dim3A_1551 = vector.shape_cast %reduce_sum3A_1550 : vector<64xf32> to vector<64x1xf32>
      %div3A = vector.broadcast %broadcast_in_dim3A_1551 : vector<64x1xf32> to vector<64x128xf32>
      %div3A_1552 = arith.divf %exp3A, %div3A : vector<64x128xf32>
      %swap3A_1553 = arith.constant 0 : index
      %swap3A_1554 = arith.constant 0 : index
      %swap3A_1555 = vector.load %arg14[%swap3A_1553, %swap3A_1554] : memref<64x128xf32, #tpu.memory_space<vmem>>, vector<64x128xf32>
      tpu.vector_store %arg14[%swap3A_1553, %swap3A_1554], %div3A_1552 {strides = array<i32>} : memref<64x128xf32, #tpu.memory_space<vmem>>, vector<64x128xf32>,
    } else {
    }
    return
  }
  func.func @transform_0(%arg0: i32) -> (i32, i32, i32, i32) {
    %c0_i32 = arith.constant 0 : i32
    %c0_i32_0 = arith.constant 0 : i32
    %c0_i32_1 = arith.constant 0 : i32
    %c0_i32_2 = arith.constant 0 : i32
    return %arg0, %c0_i32, %c0_i32_0, %c0_i32_1 : i32, i32, i32, i32
  }
  func.func @transform_1(%arg0: i32) -> (i32, i32) {
    %c0_i32 = arith.constant 0 : i32
    %c0_i32_0 = arith.constant 0 : i32
    %c0_i32_1 = arith.constant 0 : i32
    return %c0_i32, %c0_i32_0 : i32, i32
  }
  func.func @transform_2(%arg0: i32) -> (i32, i32) {
    %c0_i32 = arith.constant 0 : i32
    %c0_i32_0 = arith.constant 0 : i32
    %c0_i32_1 = arith.constant 0 : i32
    return %c0_i32, %c0_i32_0 : i32, i32
  }
  func.func @transform_3(%arg0: i32) -> (i32, i32) {
    %c0_i32 = arith.constant 0 : i32
    %c0_i32_0 = arith.constant 0 : i32
    %c0_i32_1 = arith.constant 0 : i32
    return %c0_i32, %c0_i32_0 : i32, i32
  }
  func.func @transform_4(%arg0: i32) -> (i32, i32) {
    %c0_i32 = arith.constant 0 : i32
    %c0_i32_0 = arith.constant 0 : i32
    %c0_i32_1 = arith.constant 0 : i32
    return %c0_i32, %c0_i32_0 : i32, i32
  }
  func.func @transform_5(%arg0: i32) -> (i32, i32) {
    %c0_i32 = arith.constant 0 : i32
    %c0_i32_0 = arith.constant 0 : i32
    %c0_i32_1 = arith.constant 0 : i32
    return %c0_i32, %c0_i32_0 : i32, i32
  }
  func.func @transform_6(%arg0: i32) -> (i32, i32) {
    %c0_i32 = arith.constant 0 : i32
    %c0_i32_0 = arith.constant 0 : i32
    %c0_i32_1 = arith.constant 0 : i32
    return %c0_i32, %c0_i32_0 : i32, i32
  }
  func.func @transform_7(%arg0: i32) -> (i32, i32) {
    %c0_i32 = arith.constant 0 : i32
    %c0_i32_0 = arith.constant 0 : i32
    %c0_i32_1 = arith.constant 0 : i32
    return %c0_i32, %c0_i32_0 : i32, i32
  }
  func.func @transform_8(%arg0: i32) -> (i32, i32) {
    %c0_i32 = arith.constant 0 : i32
    %c0_i32_0 = arith.constant 0 : i32
    %c0_i32_1 = arith.constant 0 : i32
    return %c0_i32, %c0_i32_0 : i32, i32
  }
  func.func @transform_9(%arg0: i32) -> (i32, i32) {
    %c0_i32 = arith.constant 0 : i32
    %c0_i32_0 = arith.constant 0 : i32
    %c0_i32_1 = arith.constant 0 : i32
    return %c0_i32, %c0_i32_0 : i32, i32
  }
  func.func @transform_10(%arg0: i32) -> (i32, i32) {
    %c0_i32 = arith.constant 0 : i32
    %c0_i32_0 = arith.constant 0 : i32
    %c0_i32_1 = arith.constant 0 : i32
    return %c0_i32, %c0_i32_0 : i32, i32
  }
  func.func @transform_11(%arg0: i32) -> (i32, i32) {
    %c0_i32 = arith.constant 0 : i32
    %c0_i32_0 = arith.constant 0 : i32
    %c0_i32_1 = arith.constant 0 : i32
    return %c0_i32, %c0_i32_0 : i32, i32
  }
  func.func @transform_12(%arg0: i32) -> (i32, i32) {
    %c0_i32 = arith.constant 0 : i32
    %c0_i32_0 = arith.constant 0 : i32
    %c0_i32_1 = arith.constant 0 : i32
    return %c0_i32, %c0_i32_0 : i32, i32
  }
  func.func @transform_13(%arg0: i32) -> (i32, i32) {
    %c0_i32 = arith.constant 0 : i32
    %c0_i32_0 = arith.constant 0 : i32
    %c0_i32_1 = arith.constant 0 : i32
    return %c0_i32, %c0_i32_0 : i32, i32
  }
}

</mosaic_0001>

<sc_bundles>
// kernel: sparse-core-data-format-call.cloned.1.call-start
scs
called_computation_lowered:
.L_overlay_start_0:
0x0: {  	s1 =	sld [smem:$0x3FD9]  }
0x1: {  	s2 =	sld [smem:$0x3FFE];
	_ =	sdelay $0x1  }
0x2: {  	s3 =	srdreg.scid  }
0x3: {  	s0 =	sand.u32 $0x1, s3  }
0x4: {  	s17 =	sshll.u32 s0, $0xA;
	s1 =	sadd.s32 s2, s1  }
0x5: {  	s1 =	sadd.s32 s1, s17  }
0x6: {  	[smem:$0x3FBA] =	sst s1  }
0x7: {  	_ = 	snop  }
0x8: {  	(tm) =	ssettm $0x1  }
0x9: {  	s18 =	sld [smem:$0x3FFB];
	_ =	sdelay $0x3  }
0xa: {  	_ =	strace s18  }
0xb: {  	s1 =	sld [smem:$0x3FFC];
	_ =	sdelay $0x3  }
0xc: {  	_ =	strace s1  }
0xd: {  	s1 =	sld [smem:$0x3FFD];
	_ =	sdelay $0x3  }
0xe: {  	_ =	strace s1  }
0xf: {  	_ =	strace $0x8FFFFFFF  }
0x10: {  	s19 =	sld [smem:$0x3FDB];
	_ =	sdelay $0x1  }
0x11: {  	s20 =	simm.s32 $_scs_section_size  }
0x12: {  	s4 =	simm.s32 $_size__tile_overlayer_lowered;
	s5 =	simm.s32 $_tile_overlayer_lowered  }
0x13: {  	s23 =	simm.s32 $0x1BFF;
	s22 =	sshll.u32 s5, $0x1;
	s1 =	sadd.s32 s20, s19  }
0x14: {  	s6 =	simm.s32 $0x0;
	s21 =	sshll.u32 s4, $0x1;
	s4 =	sadd.s32 s22, s1  }
0x15: {  	[timem:s6], [sflag:s23] =	dma.local [hbm:s4], s21  }
0x16: {  	_ =	swait.ge [sflag:s23], s21  }
0x17: {  	s2 =	ssub.s32 $0x0, s21;
	[sflag:s23] =	ssyncset.done $0x0  }
0x18: {  	[sflag:s23] =	ssyncadd.s32 s2;
	_ =	sdelay $0x1  }
0x19: {  	s24 =	simm.s32 $0x1B8B  }
0x1a: {  	_ =	swait.ge [sflag:s24], $0x1  }
0x1b: {  	[sflag:s24] =	ssyncset.done $0x0  }
0x1c: {  	s26 =	simm.s32 $0x1B8E;
	s25 =	sld [smem:$0x3FFE];
	[sflag:s24] =	ssyncadd.s32 $0xFFFFFFFF  }
0x1d: {  	s27 =	simm.s32 $execute0_lowered;
	[smem:$0x3FD2] =	sst s26  }
0x1e: {  	s4 =	sshll.u32 s27, $0x1;
	_ =	strace $0x80000046;
	[dreg:$0x1] =	wrdreg $0xFFFFFFFF  }
0x1f: {  	s28 =	simm.s32 $_size_execute0_lowered;
	s1 =	sadd.s32 s1, s4;
	[dreg:$0x0] =	wrdreg $0x0  }
0x20: {  	s4 =	sshll.u32 s28, $0x1;
	[dreg:$0x2] =	wrdreg s1  }
0x21: {  	[dreg:$0x3] =	wrdreg s4  }
0x22: {  	[dreg:$0x4] =	wrdreg $0xC0  }
0x23: {  	_ =	task [dreg:s6], $0x5FFFF  }
0x24: {  	[dreg:$0x1] =	wrdreg $0xFFFFFFFF  }
0x25: {  	[dreg:$0x0] =	wrdreg $0x60  }
0x26: {  	[dreg:$0x2] =	wrdreg s25  }
0x27: {  	[dreg:$0x3] =	wrdreg $0x9  }
0x28: {  	_ =	task.clear_ibuf [dreg:s6], $0x4FFFF;
	_ =	strace $0x90000046  }
0x29: {  	s29 =	simm.s32 $0x9;
	_ =	strace $0x80000048  }
0x2a: {  	_ =	swait.ge [sflag:s29], $0x1  }
0x2b: {  	[sflag:s29] =	ssyncadd.s32 $0xFFFFFFFF  }
0x2c: {  	_ =	strace $0x90000048  }
0x2d: {  	_ =	sfence  }
0x2e: {  	s30 =	sld [smem:$0x0];
	_ =	sdelay $0x2  }
0x2f: {  	s31 =	sshll.u32 s3, $0xD;
	s3 =	sshrl.u32 s3, $0x2  }
0x30: {  	s2 =	sand.u32 $0x4000, s31;
	s1 =	sadd.s32 s3, s30  }
0x31: {  	s0 =	sor.u32 s2, s0;
	s1 =	sshll.u32 s1, $0x11  }
0x32: {  	s0 =	sor.u32 s1, s0  }
0x33: {  	s0 =	sadd.s32 $0x8F2B, s0  }
0x34: {  	[sflag:s0] =	ssyncadd.remote.s32 $0x1  }
0x35: {  	_ =	sfence.sel $0xFFFF  }
0x36: {  	[dreg:$0x0] =	wrdreg $0xFFFFFFFF;
	(pc) =	sbr.abs _section_cstart, $3  }
0x37: {  	[dreg:$0x1] =	wrdreg $0xFFFFFFFF  }
0x38: {  	_ =	task.clear_ibuf [dreg:s6], $0x2FFFF;
	_ =	strace $0x9FFFFFFF  }
0x39: {  	(tm) =	ssettm $0x7FFFFFFF  }
tec
execute0_lowered:
.L_overlay_start_1:
0x0: {  	(tag) =	ssettag $0x1  }
0x1: {  	s6 =	rddreg [dreg:$0x0]  }
0x2: {  	s0 =	rddreg [dreg:$0x1];
	s1 =	srdreg.scid;
	_ =	strace $0x80000047  }
0x3: {  	s7 =	simm.s32 $0x2;
	s5 =	simm.s32 $0x1F;
	s12 =	simm.s32 $0x0  }
0x4: {  	s8 =	simm.s32 $0x80;
	s9 =	simm.s32 $0x1FF80;
	s2 =	sshll.u32 s1, $0x4  }
.Ltmp0:
0x5: {  	s1 =	stileid.u32;
	s4 =	sand.u32 $0x10, s2;
	(pc) =	sbr.rel .LBB1_1-.Ltmp0, $4  }
0x6: {  	s11 =	simm.s32 $0x0;
	s2 =	simm.s32 $0x1;
	s4 =	sor.u32 s1, s4  }
0x7: {  	s3 =	sadd.s32 $0x1A00, s6;
	[sflag:s2] =	ssyncpa.u1 $0x0;
	p0 =	seq.s32 s4, $0x1F  }
0x8: {  	s6 =	sadd.s32 $0x101600, s6;
	[sflag:s7] =	ssyncpa.u1 $0x0;
	s5 =	simm.s32 @!p0 $0x20  }
0x9: {  	s10 =	smov.u32 s4;
	p0 =	por $0x0, $0x0;
	s7 =	sadd.s32 $0x1, s5  }
.LBB1_4:
0xa: {  	[tilespmem:s13+$0x30] =	vst v10;
	v8 =	vpack.i.b32.b16 v11, v8  }
0xb: {  	v51 =	vunpack.i.l.s16.s32 v3;
	v7 =	vpack.i.b32.b16 v9, v7;
	v52 =	vunpack.i.l.s16.s32 v5;
	[tilespmem:s13+$0xFFFFFFC0] =	vst v8  }
0xc: {  	v53 =	vunpack.i.u.s16.s32 v3;
	v54 =	vunpack.i.u.s16.s32 v5;
	[tilespmem:s13+$0x40] =	vst v7;
	v55 =	vpack.i.b32.b16 v52, v51  }
0xd: {  	v56 =	vunpack.i.l.s16.s32 v2;
	v57 =	vunpack.i.l.s16.s32 v4;
	v3 =	vpack.i.b32.b16 v54, v53;
	[tilespmem:s13+$0xFFFFFFD0] =	vst v55  }
0xe: {  	v58 =	vunpack.i.l.s16.s32 v6;
	v59 =	vpack.i.b32.b16 v57, v56;
	[tilespmem:s13+$0x50] =	vst v3  }
0xf: {  	v60 =	vunpack.i.u.s16.s32 v6;
	v1 =	vpack.i.b32.b16 v1, v58;
	[tilespmem:s13+$0xFFFFFFE0] =	vst v59  }
0x10: {  	v61 =	vunpack.i.u.s16.s32 v2;
	v62 =	vunpack.i.u.s16.s32 v4;
	v0 =	vpack.i.b32.b16 v0, v60;
	[tilespmem:s13+$0xFFFFFF80] =	vst v1  }
0x11: {  	s12 =	sshll.u32 s12, $0x4;
	v63 =	vpack.i.b32.b16 v62, v61;
	[tilespmem:s15+$0x0] =	vst v0  }
0x12: {  	s12 =	sadd.s32 s6, s12;
	[tilespmem:s15+$0x60] =	vst v63  }
0x13: {  	[hbm4b:s12+s8] =	stream.strided.scatter [tilespmem:s14], [sflag:$0x2], $0x2000, s9, s8, $0x38;
	[tilespmem:$0x8000] =	vst v63  }
.LBB1_5:
0x14: {  	s14 =	sadd.s32 $0x20, s10  }
0x15: {  	p2 =	sgt.s32 s14, $0x3FE  }
0x16: {  	s14 =	smov.u32 @p2 s4;
	p2 =	sne.s32 s11, s7  }
.Ltmp1:
0x17: {  	p1 =	slt.u32 s11, $0x2;
	(pc) =	sbr.rel @!p2 .LBB1_6-.Ltmp1, $4  }
0x18: {  	s13 =	simm.s32 @!p1 $0x2  }
0x19: {  	s15 =	sadd.s32 $0x1, s11;
	_ =	swait.ge @!p1 [sflag:s13], $0x2000  }
0x1a: {  	s12 =	smov.u32 s10;
	p0 =	por !p0, !p0;
	[sflag:s13] =	ssyncset.done @!p1 $0x0  }
0x1b: {  	s11 =	smov.u32 s15;
	s10 =	smov.u32 s14;
	[sflag:s13] =	ssyncadd.s32 @!p1 $0xFFFFE000  }
.LBB1_1:
0x1c: {  	p1 =	sge.u32 s11, s5  }
0x1d: {  	s13 =	sxor.u32 @!p1 $0xFFFFFFFF, s11  }
0x1e: {  	s31 =	sadd.s32 $0xFFFFFFFF, s11;
	s14 =	sshll.u32 @!p1 s10, $0xA;
	s13 =	sshll.u32 @!p1 s13, $0xD  }
0x1f: {  	s15 =	simm.s32 @!p1 $0x0;
	s14 =	sadd.s32 @!p1 s3, s14;
	s13 =	sand.u32 @!p1 $0x2000, s13  }
0x20: {  	[tilespmem:s13], [sflag:$0x1] =	stream.linear.gather @!p1 [hbm4b:s14+s15], $0x2000, $0x38;
	[tilespmem:$0x8000] =	vst v63  }
0x21: {  	p1 =	sge.u32 s31, s5  }
.Ltmp2:
0x22: {  	_ = 	snop;
	(pc) =	sbr.rel @p1 .LBB1_5-.Ltmp2, $1  }
0x23: {  	_ =	sdelay $0x3  }
0x24: {  	s13 =	simm.s32 $0x1  }
0x25: {  	_ =	swait.ge [sflag:s2], $0x2000;
	s13 =	simm.s32 @!p0 $0x0  }
0x26: {  	[sflag:s2] =	ssyncset.done $0x0;
	s13 =	sshll.u32 s13, $0xD  }
0x27: {  	[sflag:s2] =	ssyncadd.s32 $0xFFFFE000;
	s15 =	sor.u32 $0x1000, s13  }
0x28: {  	v0 =	vld [tilespmem:s15+$0xFFFFF070]  }
0x29: {  	v1 =	vld [tilespmem:s15+$0x70]  }
0x2a: {  	v2 =	vld [tilespmem:s15+$0x0]  }
0x2b: {  	v3 =	vld [tilespmem:s15+$0xFFFFF010]  }
0x2c: {  	v4 =	vld [tilespmem:s15+$0x10]  }
0x2d: {  	v5 =	vld [tilespmem:s15+$0xFFFFF020]  }
0x2e: {  	v7 =	vld [tilespmem:s15+$0x20];
	v6 =	vunpack.i.l.s16.s32 v0;
	v8 =	vunpack.i.u.s16.s32 v0;
	v9 =	vunpack.i.u.s16.s32 v1  }
0x2f: {  	v11 =	vld [tilespmem:s15+$0x30];
	v10 =	vunpack.i.l.s16.s32 v1;
	v0 =	vunpack.i.u.s16.s32 v2;
	v1 =	vunpack.i.l.s16.s32 v2  }
0x30: {  	s13 =	sor.u32 $0x4080, s13;
	v2 =	vld [tilespmem:s15+$0xFFFFF030];
	v8 =	vpack.i.b32.b16 v9, v8;
	v9 =	vunpack.i.u.s16.s32 v3;
	v3 =	vunpack.i.l.s16.s32 v3  }
0x31: {  	v12 =	vld [tilespmem:s15+$0xFFFFF040];
	v6 =	vpack.i.b32.b16 v10, v6;
	[tilespmem:s13+$0x70] =	vst v8;
	v8 =	vunpack.i.u.s16.s32 v4;
	v4 =	vunpack.i.l.s16.s32 v4  }
0x32: {  	v13 =	vld [tilespmem:s15+$0x40];
	[tilespmem:s13+$0xFFFFFFF0] =	vst v6;
	v3 =	vpack.i.b32.b16 v4, v3;
	v4 =	vunpack.i.u.s16.s32 v5;
	v5 =	vunpack.i.l.s16.s32 v5  }
0x33: {  	v6 =	vpack.i.b32.b16 v8, v9;
	v8 =	vunpack.i.u.s16.s32 v7;
	v7 =	vunpack.i.l.s16.s32 v7;
	[tilespmem:s13+$0xFFFFFF90] =	vst v3;
	v3 =	vld [tilespmem:s15+$0xFFFFF050]  }
0x34: {  	v10 =	vunpack.i.u.s16.s32 v11;
	[tilespmem:s13+$0x10] =	vst v6;
	v6 =	vpack.i.b32.b16 v7, v5;
	v5 =	vld [tilespmem:s15+$0x50];
	v4 =	vpack.i.b32.b16 v8, v4  }
0x35: {  	s14 =	sshll.u32 s11, $0xD;
	v9 =	vunpack.i.u.s16.s32 v2;
	v7 =	vunpack.i.l.s16.s32 v2;
	[tilespmem:s13+$0xFFFFFFA0] =	vst v6;
	v6 =	vunpack.i.l.s16.s32 v11;
	v2 =	vld [tilespmem:s15+$0xFFFFF060]  }
0x36: {  	s16 =	simm.s32 $0x0;
	s14 =	sand.u32 $0x2000, s14;
	v8 =	vunpack.i.l.s16.s32 v12;
	[tilespmem:s13+$0x20] =	vst v4;
	v4 =	vld [tilespmem:s15+$0x60];
	v11 =	vpack.i.b32.b16 v6, v7;
	v7 =	vunpack.i.u.s16.s32 v12  }
0x37: {  	s14 =	sor.u32 $0x4000, s14;
	s17 =	sadd.s32 $0x80, s15;
	v6 =	vld [tilespmem:s15+$0xFFFFF000];
	v10 =	vpack.i.b32.b16 v10, v9;
	v9 =	vunpack.i.u.s16.s32 v13;
	s15 =	smov.u32 s13;
	[tilespmem:s13+$0xFFFFFFB0] =	vst v11;
	v11 =	vunpack.i.l.s16.s32 v13  }
.LBB1_3:
0x38: {  	v12 =	vld [tilespmem:s17+$0xFFFFF070];
	[tilespmem:s13+$0x30] =	vst v10;
	v8 =	vpack.i.b32.b16 v11, v8;
	v10 =	vunpack.i.u.s16.s32 v3;
	v3 =	vunpack.i.l.s16.s32 v3  }
0x39: {  	s16 =	sadd.s32 $0x2, s16;
	v7 =	vpack.i.b32.b16 v9, v7;
	v11 =	vld [tilespmem:s17+$0x70];
	[tilespmem:s13+$0xFFFFFFC0] =	vst v8;
	v8 =	vunpack.i.u.s16.s32 v5;
	v5 =	vunpack.i.l.s16.s32 v5  }
0x3a: {  	p1 =	slt.u32 s16, $0x3E;
	v9 =	vld [tilespmem:s17+$0x0];
	[tilespmem:s13+$0x40] =	vst v7;
	v3 =	vpack.i.b32.b16 v5, v3;
	v5 =	vunpack.i.u.s16.s32 v2;
	v2 =	vunpack.i.l.s16.s32 v2  }
0x3b: {  	v7 =	vld [tilespmem:s17+$0xFFFFF010];
	[tilespmem:s13+$0xFFFFFFD0] =	vst v3;
	v3 =	vpack.i.b32.b16 v8, v10;
	v8 =	vunpack.i.u.s16.s32 v4;
	v4 =	vunpack.i.l.s16.s32 v4  }
0x3c: {  	v13 =	vunpack.i.u.s16.s32 v6;
	v6 =	vunpack.i.l.s16.s32 v6;
	v10 =	vld [tilespmem:s17+$0x10];
	[tilespmem:s13+$0x50] =	vst v3;
	v2 =	vpack.i.b32.b16 v4, v2  }
0x3d: {  	v1 =	vpack.i.b32.b16 v1, v6;
	v6 =	vpack.i.b32.b16 v0, v13;
	v3 =	vld [tilespmem:s17+$0xFFFFF020];
	v4 =	vunpack.i.l.s16.s32 v12;
	[tilespmem:s13+$0xFFFFFFE0] =	vst v2  }
0x3e: {  	v12 =	vunpack.i.u.s16.s32 v12;
	v2 =	vld [tilespmem:s17+$0x20];
	v13 =	vunpack.i.u.s16.s32 v11;
	v11 =	vunpack.i.l.s16.s32 v11;
	[tilespmem:s13+$0xFFFFFF80] =	vst v1  }
0x3f: {  	s13 =	sadd.s32 $0x100, s13;
	v0 =	vunpack.i.u.s16.s32 v9;
	v1 =	vunpack.i.l.s16.s32 v9;
	v9 =	vld [tilespmem:s17+$0xFFFFF030];
	v12 =	vpack.i.b32.b16 v13, v12;
	[tilespmem:s15+$0x0] =	vst v6  }
0x40: {  	v5 =	vpack.i.b32.b16 v8, v5;
	v6 =	vunpack.i.u.s16.s32 v7;
	v7 =	vunpack.i.l.s16.s32 v7;
	v13 =	vld [tilespmem:s17+$0x30];
	[tilespmem:s13+$0x70] =	vst v12  }
0x41: {  	v4 =	vpack.i.b32.b16 v11, v4;
	v8 =	vunpack.i.u.s16.s32 v10;
	v10 =	vunpack.i.l.s16.s32 v10;
	v12 =	vld [tilespmem:s17+$0xFFFFF040];
	[tilespmem:s15+$0x60] =	vst v5;
	s15 =	smov.u32 s13  }
0x42: {  	v5 =	vpack.i.b32.b16 v10, v7;
	v7 =	vunpack.i.u.s16.s32 v3;
	v10 =	vunpack.i.l.s16.s32 v3;
	v11 =	vld [tilespmem:s17+$0x40];
	[tilespmem:s13+$0xFFFFFFF0] =	vst v4  }
.Ltmp3:
0x43: {  	v4 =	vpack.i.b32.b16 v8, v6;
	[tilespmem:s13+$0xFFFFFF90] =	vst v5;
	v6 =	vunpack.i.u.s16.s32 v2;
	v2 =	vunpack.i.l.s16.s32 v2;
	v3 =	vld [tilespmem:s17+$0xFFFFF050];
	(pc) =	sbr.rel @p1 .LBB1_3-.Ltmp3, $4  }
0x44: {  	[tilespmem:s13+$0x10] =	vst v4;
	v2 =	vpack.i.b32.b16 v2, v10;
	v10 =	vunpack.i.u.s16.s32 v9;
	v4 =	vunpack.i.l.s16.s32 v9;
	v5 =	vld [tilespmem:s17+$0x50]  }
0x45: {  	v6 =	vpack.i.b32.b16 v6, v7;
	[tilespmem:s13+$0xFFFFFFA0] =	vst v2;
	v9 =	vunpack.i.u.s16.s32 v13;
	v7 =	vunpack.i.l.s16.s32 v13;
	v2 =	vld [tilespmem:s17+$0xFFFFF060]  }
0x46: {  	[tilespmem:s13+$0x20] =	vst v6;
	v13 =	vpack.i.b32.b16 v7, v4;
	v7 =	vunpack.i.u.s16.s32 v12;
	v8 =	vunpack.i.l.s16.s32 v12;
	v4 =	vld [tilespmem:s17+$0x60]  }
0x47: {  	v10 =	vpack.i.b32.b16 v9, v10;
	v6 =	vld [tilespmem:s17+$0xFFFFF000];
	[tilespmem:s13+$0xFFFFFFB0] =	vst v13;
	v9 =	vunpack.i.u.s16.s32 v11;
	v11 =	vunpack.i.l.s16.s32 v11;
	s17 =	sadd.s32 $0x80, s17  }
.Ltmp4:
0x48: {  	_ = 	snop;
	(pc) =	sbr.rel .LBB1_4-.Ltmp4, $1  }
0x49: {  	_ =	sdelay $0x3  }
.LBB1_6:
0x4a: {  	_ =	sfence.sel $0x180000  }
0x4b: {  	s2 =	simm.s32 $0x1;
	[bflag:$0x0] =	sbarrier.arrive $0xFFFF  }
0x4c: {  	s31 =	simm.s32 $0x2;
	[sflag:s2] =	ssyncpa.u1 $0x1  }
0x4d: {  	[sflag:s31] =	ssyncpa.u1 $0x1  }
0x4e: {  	p0 =	sne.s32 s1, $0x0;
	_ =	strace $0x90000047  }
0x4f: {  	s0 =	sadd.s32 @!p0 $0x100000, s0;
	[bflag:$0x2] =	sbarrier.arrive $0xFFFF  }
0x50: {  	[sflag:s0] =	ssyncadd.tile.s32 @!p0 $0x1;
	_ =	shalt  }
.Lfunc_end1:
_tile_overlayer_lowered:
.L_overlay_start_2:
0x51: {  	(tag) =	ssettag $0x2  }
0x52: {  	s0 =	rddreg [dreg:$0x0];
	s2 =	stileid.u32  }
0x53: {  	s1 =	rddreg [dreg:$0x1];
	p0 =	sne.s32 s2, $0x0  }
0x54: {  	s3 =	rddreg [dreg:$0x2];
	[bflag:$0x3] =	sbarrier.arrive $0xFFFF;
	s2 =	simm.s32 @!p0 $0x1C01  }
0x55: {  	[timem:s3], [sflag:s2] =	dma.local @!p0 [hbm:s0], s1  }
0x56: {  	s0 =	simm.s32 @!p0 $0x1  }
0x57: {  	_ =	swait.ge @!p0 [sflag:s0], s1  }
0x58: {  	s1 =	ssub.s32 @!p0 $0x0, s1;
	[sflag:s0] =	ssyncset.done @!p0 $0x0  }
0x59: {  	[sflag:s0] =	ssyncadd.s32 @!p0 s1  }
0x5a: {  	[bflag:$0x3] =	sbarrier.arrive $0xFFFF  }
0x5b: {  	_ =	shalt  }

</sc_bundles>
